<compile_context>
chip_gen: v7x
topology: tpu7x:2x2x1
jax: 0.10.2.dev20260603
libtpu: 0.0.44.dev20260713+nightly
codegen_flags: <defaults>
</compile_context>

<pallas_src>
import jax
import jax.numpy as jnp
from jax import lax
from jax.experimental import pallas as pl
from jax.experimental.pallas import tpu as pltpu
from jax.experimental.pallas import tpu_sc as plsc

Q = 1024
D = 1024
K = 100000
KB = 512
NKB = 196
KPAD = NKB * KB
CH = 128
NCH = KPAD // CH
NSEL = 80
NVSEL = NSEL // 16
TOPK = 64
ROWS_PER_W = Q // 32
NEG = -3.0e38


def _mm_body(q_ref, k_ref, sims_ref):
    sims_ref[...] = lax.dot_general(
        q_ref[...], k_ref[...], (((1,), (1,)), ((), ())),
        preferred_element_type=jnp.float32)


_mm_call = pl.pallas_call(
    _mm_body,
    grid=(NKB,),
    in_specs=[
        pl.BlockSpec((Q, D), lambda kb: (0, 0)),
        pl.BlockSpec((KB, D), lambda kb: (kb, 0)),
    ],
    out_specs=pl.BlockSpec((Q, KB), lambda kb: (0, kb)),
    out_shape=jax.ShapeDtypeStruct((Q, KPAD), jnp.float32),
    compiler_params=pltpu.CompilerParams(
        dimension_semantics=("arbitrary",),
    ),
)


def _stat_body(sims_ref, cmax_ref):
    kb = pl.program_id(0)
    blk = sims_ref[...]
    col_ids = kb * KB + lax.broadcasted_iota(jnp.int32, (1, KB), 1)
    masked = jnp.where(col_ids < K, blk, -1e30)
    cmax_ref[...] = jnp.max(masked.reshape(Q, KB // CH, CH), axis=-1)[None]


_stat_call = pl.pallas_call(
    _stat_body,
    grid=(NKB,),
    in_specs=[
        pl.BlockSpec((Q, KB), lambda kb: (0, kb)),
    ],
    out_specs=pl.BlockSpec((1, Q, KB // CH), lambda kb: (kb, 0, 0)),
    out_shape=jax.ShapeDtypeStruct((NKB, Q, KB // CH), jnp.float32),
    compiler_params=pltpu.CompilerParams(
        dimension_semantics=("arbitrary",),
    ),
)


def _merge16_kv(av, ai, bv, bi):
    bv = lax.rev(bv, (0,))
    bi = lax.rev(bi, (0,))
    take_a = av > bv
    hi_v = jnp.where(take_a, av, bv)
    hi_i = jnp.where(take_a, ai, bi)
    lo_v = jnp.where(take_a, bv, av)
    lo_i = jnp.where(take_a, bi, ai)
    lo_v, lo_i = plsc.sort_key_val(lo_v, lo_i)
    hi_v, hi_i = plsc.sort_key_val(hi_v, hi_i)
    return lo_v, lo_i, hi_v, hi_i


def _merge16_k(a, b):
    b = lax.rev(b, (0,))
    hi = jnp.maximum(a, b)
    lo = jnp.minimum(a, b)
    return lax.sort(lo), lax.sort(hi)


def _sc_body(sims2, cmaxt, mstat, vals_hbm, idx_hbm,
             cmax_v, gidx_v, cbase_v, cmlp_v, cand_v, mstat_v,
             gtv_v, gti_v, eqv_v, eqi_v, outv_v, outi_v, sem):
    nc = 2
    wid = lax.axis_index("s") * nc + lax.axis_index("c")
    iota = lax.iota(jnp.int32, 16)

    r0 = wid * ROWS_PER_W
    pltpu.sync_copy(cmaxt.at[pl.ds(r0, ROWS_PER_W)], cmax_v)
    pltpu.sync_copy(mstat.at[pl.ds(r0, ROWS_PER_W)], mstat_v)

    def row_task(i, _):
        r = r0 + i
        mv = mstat_v[i, pl.ds(0, 16)]
        rmax = mv[0]
        lgs = mv[1]

        def a_body(j, carry):
            w_v = cmax_v[i, pl.ds(j * 16, 16)]
            w_i = j * 16 + iota
            tau = carry[0][0]
            cnt = plsc.all_reduce_population_count(w_v > tau)[0]

            def ins(c):
                t0v, t0i, t1v, t1i, t2v, t2i, t3v, t3i, t4v, t4i = c
                wsv, wsi = plsc.sort_key_val(w_v, w_i)
                _, _, uv, ui = _merge16_kv(t0v, t0i, wsv, wsi)
                n0v, n0i, uv, ui = _merge16_kv(uv, ui, t1v, t1i)
                n1v, n1i, uv, ui = _merge16_kv(uv, ui, t2v, t2i)
                n2v, n2i, uv, ui = _merge16_kv(uv, ui, t3v, t3i)
                n3v, n3i, n4v, n4i = _merge16_kv(uv, ui, t4v, t4i)
                return (n0v, n0i, n1v, n1i, n2v, n2i, n3v, n3i, n4v, n4i)

            return lax.cond(cnt > 0, ins, lambda c: c, carry)

        zneg = jnp.full((16,), NEG, jnp.float32)
        zi = jnp.zeros((16,), jnp.int32)
        a_init = (zneg, zi, zneg, zi, zneg, zi, zneg, zi, zneg, zi)
        a_out = lax.fori_loop(0, NCH // 16, a_body, a_init)
        ids = [a_out[1], a_out[3], a_out[5], a_out[7], a_out[9]]
        cvs = [a_out[0], a_out[2], a_out[4], a_out[6], a_out[8]]

        p0 = plsc.sort_key_val(ids[0], cvs[0])
        srt_i, srt_v = [p0[0]], [p0[1]]
        for idv, cvv in zip(ids[1:], cvs[1:]):
            nxt_i, nxt_v = plsc.sort_key_val(idv, cvv)
            out_i, out_v = [], []
            for pos in range(len(srt_i)):
                lo_i, lo_v, nxt_i, nxt_v = _merge16_kv(
                    srt_i[pos], srt_v[pos], nxt_i, nxt_v)
                out_i.append(lo_i)
                out_v.append(lo_v)
            out_i.append(nxt_i)
            out_v.append(nxt_v)
            srt_i, srt_v = out_i, out_v

        for j in range(NVSEL):
            gidx_v[pl.ds(j * 16, 16)] = srt_i[j] + r * NCH
            cbase_v[pl.ds(j * 16, 16)] = srt_i[j] * CH
            cmlp_v[pl.ds(j * 16, 16)] = (srt_v[j] - rmax) - lgs

        pltpu.async_copy(sims2.at[gidx_v], cand_v, sem).wait()

        def colbase_of(cj):
            return cbase_v[pl.ds(cj, 16)][0]

        def cmaxlp_of(cj):
            return cmlp_v[pl.ds(cj, 16)][0]

        def c1_outer(cj, carry):
            colbase = colbase_of(cj)

            def c1_chunk(carry):
                return lax.fori_loop(0, CH // 16, c1_inner, carry)

            def c1_inner(b, c):
                v = cand_v[cj, pl.ds(b * 16, 16)]
                col = colbase + b * 16 + iota
                vlp = (v - rmax) - lgs
                vlp = jnp.where(col < K, vlp, NEG)
                tau = c[0][0]
                cnt = plsc.all_reduce_population_count(vlp > tau)[0]

                def ins(cc):
                    t0, t1, t2, t3 = cc
                    ws = lax.sort(vlp)
                    _, u = _merge16_k(t0, ws)
                    n0, u = _merge16_k(u, t1)
                    n1, u = _merge16_k(u, t2)
                    n2, n3 = _merge16_k(u, t3)
                    return (n0, n1, n2, n3)

                return lax.cond(cnt > 0, ins, lambda cc: cc, c)

            return lax.cond(cmaxlp_of(cj) > carry[0][0],
                            c1_chunk, lambda c: c, carry)

        c1 = lax.fori_loop(0, NSEL, c1_outer,
                           (zneg, zneg, zneg, zneg))
        tau = c1[0][0]

        def c2_outer(cj, carry):
            colbase = colbase_of(cj)

            def c2_chunk(carry):
                return lax.fori_loop(0, CH // 16, c2_inner, carry)

            def c2_inner(b, c):
                pgt, peq = c
                v = cand_v[cj, pl.ds(b * 16, 16)]
                col = colbase + b * 16 + iota
                vlp = (v - rmax) - lgs
                vlp = jnp.where(col < K, vlp, NEG)
                mgt = vlp > tau
                meq = vlp == tau
                ngt = plsc.all_reduce_population_count(mgt)[0]
                neq = plsc.all_reduce_population_count(meq)[0]

                def sgt(p):
                    plsc.store_compressed(gtv_v.at[pl.ds(p, 16)], vlp, mask=mgt)
                    plsc.store_compressed(gti_v.at[pl.ds(p, 16)], col, mask=mgt)
                    return p + ngt

                def seq(p):
                    plsc.store_compressed(eqv_v.at[pl.ds(p, 16)], vlp, mask=meq)
                    plsc.store_compressed(eqi_v.at[pl.ds(p, 16)], col, mask=meq)
                    return p + neq

                pgt = lax.cond(ngt > 0, sgt, lambda p: p, pgt)
                peq = lax.cond((neq > 0) & (peq <= 128), seq, lambda p: p, peq)
                return (pgt, peq)

            return lax.cond(cmaxlp_of(cj) >= tau,
                            c2_chunk, lambda c: c, carry)

        m_gt, _ = lax.fori_loop(0, NSEL, c2_outer,
                                (jnp.int32(0), jnp.int32(0)))

        gt = ([gtv_v[pl.ds(j * 16, 16)] for j in range(5)],
              [gti_v[pl.ds(j * 16, 16)] for j in range(5)])
        gvs = [jnp.where(j * 16 + iota < m_gt, gt[0][j], NEG) for j in range(5)]
        gis = gt[1]

        def e_body(p, carry):
            state = carry
            gv = list(state[0:5])
            gi = list(state[5:10])
            ov = list(state[10:14])
            oi = list(state[14:18])

            def from_gt(_):
                mvv = gv[0]
                for t in range(1, 5):
                    mvv = jnp.maximum(mvv, gv[t])
                best = lax.sort(mvv)[15]
                ci = jnp.where(gv[0] == best, gi[0], 2147483647)
                for t in range(1, 5):
                    ci = jnp.minimum(
                        ci, jnp.where(gv[t] == best, gi[t], 2147483647))
                bid = lax.sort(ci)[0]
                ngv = []
                for t in range(5):
                    hit = (gv[t] == best) & (gi[t] == bid)
                    ngv.append(jnp.where(hit, NEG, gv[t]))
                return (best, bid) + tuple(ngv)

            def from_eq(_):
                j = p - m_gt
                ev = eqv_v[pl.ds(j, 16)]
                ei = eqi_v[pl.ds(j, 16)]
                return (ev[0], ei[0]) + tuple(gv)

            res = lax.cond(p < m_gt, from_gt, from_eq, 0)
            best, bid = res[0], res[1]
            gv = list(res[2:7])
            nov, noi = [], []
            for qn in range(4):
                mask = (iota == (p % 16)) & ((p // 16) == qn)
                nov.append(jnp.where(mask, best, ov[qn]))
                noi.append(jnp.where(mask, bid, oi[qn]))
            return tuple(gv) + tuple(gi) + tuple(nov) + tuple(noi)

        zf = jnp.zeros((16,), jnp.float32)
        e_init = tuple(gvs) + tuple(gis) + (zf,) * 4 + (zi,) * 4
        e_out = lax.fori_loop(0, TOPK, e_body, e_init)
        for qn in range(4):
            outv_v[i, pl.ds(qn * 16, 16)] = e_out[10 + qn]
            outi_v[i, pl.ds(qn * 16, 16)] = e_out[14 + qn]
        return 0

    lax.fori_loop(0, ROWS_PER_W, row_task, 0)
    pltpu.sync_copy(outv_v, vals_hbm.at[pl.ds(r0, ROWS_PER_W)])
    pltpu.sync_copy(outi_v, idx_hbm.at[pl.ds(r0, ROWS_PER_W)])


_sc_mesh = plsc.VectorSubcoreMesh(core_axis_name="c", subcore_axis_name="s")

_sc_call = pl.kernel(
    _sc_body,
    out_type=[
        jax.ShapeDtypeStruct((Q, TOPK), jnp.float32),
        jax.ShapeDtypeStruct((Q, TOPK), jnp.int32),
    ],
    mesh=_sc_mesh,
    scratch_types=[
        pltpu.VMEM((ROWS_PER_W, NCH), jnp.float32),
        pltpu.VMEM((NSEL,), jnp.int32),
        pltpu.VMEM((NSEL + 16,), jnp.int32),
        pltpu.VMEM((NSEL + 16,), jnp.float32),
        pltpu.VMEM((NSEL, CH), jnp.float32),
        pltpu.VMEM((ROWS_PER_W, 16), jnp.float32),
        pltpu.VMEM((80,), jnp.float32),
        pltpu.VMEM((80,), jnp.int32),
        pltpu.VMEM((160,), jnp.float32),
        pltpu.VMEM((160,), jnp.int32),
        pltpu.VMEM((ROWS_PER_W, TOPK), jnp.float32),
        pltpu.VMEM((ROWS_PER_W, TOPK), jnp.int32),
        pltpu.SemaphoreType.DMA,
    ],
    compiler_params=pltpu.CompilerParams(needs_layout_passes=False),
)


def kernel(queries, keys, k):
    qn = queries / (jnp.linalg.norm(queries, axis=-1, keepdims=True) + 1e-8)
    kn = keys / (jnp.linalg.norm(keys, axis=-1, keepdims=True) + 1e-8)
    qn_bf = qn.astype(jnp.bfloat16)
    kn_bf = jnp.pad(kn.astype(jnp.bfloat16), ((0, KPAD - K), (0, 0)))
    sims = _mm_call(qn_bf, kn_bf)
    cmax3 = _stat_call(sims)
    cmaxt = cmax3.transpose(1, 0, 2).reshape(Q, NCH)
    rowmax = jnp.max(cmax3, axis=(0, 2))
    logs = jnp.log(jnp.sum(jnp.exp(sims[:, :K] - rowmax[:, None]), axis=-1))
    mstat = jnp.pad(jnp.stack([rowmax, logs], axis=1), ((0, 0), (0, 14)))
    sims2 = sims.reshape(Q * NCH, CH)
    vals, idx = _sc_call(sims2, cmaxt, mstat)
    return vals, idx

# --- scband reference (transcript-rebuilt; emitter-appended) ---
"""Pipeline reference for scband-similarity-unigram-model-6966436954828 (READ-ONLY COPY).

The authoritative reference and input builder live on the scoring server;
editing this copy changes nothing except your own understanding.
"""

import jax, jax.numpy as jnp
import numpy as np


def setup_inputs(seed: int = 0) -> dict:
    key = jax.random.key(seed)
    k1, k2 = jax.random.split(key)
    queries = jax.random.normal(k1, (1024, 1024), dtype=jnp.float32)
    keys = jax.random.normal(k2, (100000, 1024), dtype=jnp.float32)
    return {"queries": queries, "keys": keys, "k": 64}


def reference(queries, keys, k):
    # SimilarityUnigramModel core: similarity between LM sentence embeddings
    # (task descriptions) and embedded human-readable primitive/unigram names,
    # normalized into a distribution over the DSL, then log-probabilities
    # (make_unigram_grammar applies torch.log to normalized probabilities).
    # Retrieval view: take top-k most similar primitives per query.
    qn = queries / (jnp.linalg.norm(queries, axis=-1, keepdims=True) + 1e-8)
    kn = keys / (jnp.linalg.norm(keys, axis=-1, keepdims=True) + 1e-8)
    sims = qn @ kn.T  # [Q, K] cosine similarities
    log_probs = jax.nn.log_softmax(sims, axis=-1)
    topk_vals, topk_idx = jax.lax.top_k(log_probs, 64)
    topk_idx = topk_idx + jnp.zeros((), dtype=topk_idx.dtype) * k
    return topk_vals, topk_idx

if __name__ == "__main__":
    import jax
    _d = setup_inputs()
    print(jax.jit(kernel)(*tuple(_d.values())))

</pallas_src>

<mosaic_0001>
#map = affine_map<(d0, d1) -> (0, 0)>
module attributes {stable_mosaic.version = 14 : i64} {
  func.func @_sc_body(%arg0: i32, %arg1: i32, %arg2: memref<802816x128xf32, #tpu.memory_space<hbm>>, %arg3: memref<1024x784xf32, #tpu.memory_space<hbm>>, %arg4: memref<1024x16xf32, #tpu.memory_space<hbm>>, %arg5: memref<1024x64xf32, #tpu.memory_space<hbm>>, %arg6: memref<1024x64xi32, #tpu.memory_space<hbm>>, %arg7: memref<32x784xf32, #tpu.memory_space<vmem>>, %arg8: memref<80xi32, #tpu.memory_space<vmem>>, %arg9: memref<96xi32, #tpu.memory_space<vmem>>, %arg10: memref<96xf32, #tpu.memory_space<vmem>>, %arg11: memref<80x128xf32, #tpu.memory_space<vmem>>, %arg12: memref<32x16xf32, #tpu.memory_space<vmem>>, %arg13: memref<80xf32, #tpu.memory_space<vmem>>, %arg14: memref<80xi32, #tpu.memory_space<vmem>>, %arg15: memref<160xf32, #tpu.memory_space<vmem>>, %arg16: memref<160xi32, #tpu.memory_space<vmem>>, %arg17: memref<32x64xf32, #tpu.memory_space<vmem>>, %arg18: memref<32x64xi32, #tpu.memory_space<vmem>>, %arg19: memref<!tpu.dma_semaphore, #tpu.memory_space<semaphore_mem>>) attributes {dimension_semantics = [#tpu.dimension_semantics<core_parallel>, #tpu.dimension_semantics<subcore_parallel>], iteration_bounds = array<i64: 2, 16>, scalar_prefetch = 0 : i64, scratch_operands = 13 : i64, tpu.core_type = #tpu.core_type<sc_vector_subcore>, window_params = [{transform_indices = #map}, {transform_indices = #map}, {transform_indices = #map}, {transform_indices = #map}, {transform_indices = #map}]} {
    %mul3A = arith.constant 2 : i32
    %mul3A_0 = arith.muli %arg1, %mul3A : i32
    %add3A = arith.addi %mul3A_0, %arg0 : i32
    %iota3A = tpu.iota {dimensions = array<i32: 0>} : vector<16xi32>
    %mul3A_1 = arith.constant 32 : i32
    %mul3A_2 = arith.muli %add3A, %mul3A_1 : i32
    "tpu.region"() ({
      %run_scoped3A = tpu.sem_alloc : memref<!tpu.dma_semaphore, #tpu.memory_space<semaphore_mem>>
      %dma_start3A = arith.constant 0 : i32
      %dma_start3A_9 = tpu.memref_slice %arg3[%mul3A_2, %dma_start3A] : memref<1024x784xf32, #tpu.memory_space<hbm>> -> memref<32x784xf32, #tpu.memory_space<hbm>>
      %dma_start3A_10 = arith.constant 0 : i32
      %dma_start3A_11 = tpu.memref_slice %arg3[%mul3A_2, %dma_start3A_10] : memref<1024x784xf32, #tpu.memory_space<hbm>> -> memref<32x784xf32, #tpu.memory_space<hbm>>
      tpu.enqueue_dma source(%dma_start3A_11 : memref<32x784xf32, #tpu.memory_space<hbm>>) target(%arg7 : memref<32x784xf32, #tpu.memory_space<vmem>>) target_semaphore(%run_scoped3A : memref<!tpu.dma_semaphore, #tpu.memory_space<semaphore_mem>>)
      %dma_wait3A = arith.constant 0 : i32
      %dma_wait3A_12 = tpu.memref_slice %arg3[%mul3A_2, %dma_wait3A] : memref<1024x784xf32, #tpu.memory_space<hbm>> -> memref<32x784xf32, #tpu.memory_space<hbm>>
      %dma_wait3A_13 = arith.constant 0 : i32
      %dma_wait3A_14 = tpu.memref_slice %arg3[%mul3A_2, %dma_wait3A_13] : memref<1024x784xf32, #tpu.memory_space<hbm>> -> memref<32x784xf32, #tpu.memory_space<hbm>>
      tpu.wait_dma2 semaphore(%run_scoped3A : memref<!tpu.dma_semaphore, #tpu.memory_space<semaphore_mem>>) src(%dma_wait3A_14 : memref<32x784xf32, #tpu.memory_space<hbm>>) dst(%arg7 : memref<32x784xf32, #tpu.memory_space<vmem>>)
      tpu.yield
    }) : () -> ()
    "tpu.region"() ({
      %run_scoped3A = tpu.sem_alloc : memref<!tpu.dma_semaphore, #tpu.memory_space<semaphore_mem>>
      %dma_start3A = arith.constant 0 : i32
      %dma_start3A_9 = tpu.memref_slice %arg4[%mul3A_2, %dma_start3A] : memref<1024x16xf32, #tpu.memory_space<hbm>> -> memref<32x16xf32, #tpu.memory_space<hbm>>
      %dma_start3A_10 = arith.constant 0 : i32
      %dma_start3A_11 = tpu.memref_slice %arg4[%mul3A_2, %dma_start3A_10] : memref<1024x16xf32, #tpu.memory_space<hbm>> -> memref<32x16xf32, #tpu.memory_space<hbm>>
      tpu.enqueue_dma source(%dma_start3A_11 : memref<32x16xf32, #tpu.memory_space<hbm>>) target(%arg12 : memref<32x16xf32, #tpu.memory_space<vmem>>) target_semaphore(%run_scoped3A : memref<!tpu.dma_semaphore, #tpu.memory_space<semaphore_mem>>)
      %dma_wait3A = arith.constant 0 : i32
      %dma_wait3A_12 = tpu.memref_slice %arg4[%mul3A_2, %dma_wait3A] : memref<1024x16xf32, #tpu.memory_space<hbm>> -> memref<32x16xf32, #tpu.memory_space<hbm>>
      %dma_wait3A_13 = arith.constant 0 : i32
      %dma_wait3A_14 = tpu.memref_slice %arg4[%mul3A_2, %dma_wait3A_13] : memref<1024x16xf32, #tpu.memory_space<hbm>> -> memref<32x16xf32, #tpu.memory_space<hbm>>
      tpu.wait_dma2 semaphore(%run_scoped3A : memref<!tpu.dma_semaphore, #tpu.memory_space<semaphore_mem>>) src(%dma_wait3A_14 : memref<32x16xf32, #tpu.memory_space<hbm>>) dst(%arg12 : memref<32x16xf32, #tpu.memory_space<vmem>>)
      tpu.yield
    }) : () -> ()
    %scan3A = arith.constant 0 : i32
    %scan3A_3 = arith.constant 0 : i32
    %scan3A_4 = arith.constant 32 : i32
    %scan3A_5 = arith.addi %scan3A_3, %scan3A_4 : i32
    %scan3A_6 = arith.constant 1 : i32
    %scan3A_7 = scf.for %scan3A_9 = %scan3A_3 to %scan3A_5 step %scan3A_6 iter_args(%scan3A_10 = %scan3A) -> (i32)  : i32 {
      %add3A_11 = arith.addi %mul3A_2, %scan3A_9 : i32
      %get3A = arith.index_cast %scan3A_9 : i32 to index
      %get3A_12 = arith.constant 0 : index
      %get3A_13 = tpu.vector_load %arg12[%get3A, %get3A_12] {strides = array<i32>} : memref<32x16xf32, #tpu.memory_space<vmem>>, vector<16xf32>,
      %slice3A = vector.extract_strided_slice %get3A_13 {offsets = [0], sizes = [1], strides = [1]} : vector<16xf32> to vector<1xf32>
      %squeeze3A = vector.extract %slice3A[0] : f32 from vector<1xf32>
      %slice3A_14 = vector.extract_strided_slice %get3A_13 {offsets = [1], sizes = [1], strides = [1]} : vector<16xf32> to vector<1xf32>
      %squeeze3A_15 = vector.extract %slice3A_14[0] : f32 from vector<1xf32>
      %broadcast_in_dim3A = arith.constant -3.000000e+38 : f32
      %broadcast_in_dim3A_16 = vector.broadcast %broadcast_in_dim3A : f32 to vector<16xf32>
      %broadcast_in_dim3A_17 = arith.constant 0 : i32
      %broadcast_in_dim3A_18 = vector.broadcast %broadcast_in_dim3A_17 : i32 to vector<16xi32>
      %scan3A_19 = arith.constant 0 : i32
      %scan3A_20 = arith.constant 49 : i32
      %scan3A_21 = arith.addi %scan3A_19, %scan3A_20 : i32
      %scan3A_22 = arith.constant 1 : i32
      %scan3A_23:10 = scf.for %scan3A_565 = %scan3A_19 to %scan3A_21 step %scan3A_22 iter_args(%scan3A_566 = %broadcast_in_dim3A_16, %scan3A_567 = %broadcast_in_dim3A_18, %scan3A_568 = %broadcast_in_dim3A_16, %scan3A_569 = %broadcast_in_dim3A_18, %scan3A_570 = %broadcast_in_dim3A_16, %scan3A_571 = %broadcast_in_dim3A_18, %scan3A_572 = %broadcast_in_dim3A_16, %scan3A_573 = %broadcast_in_dim3A_18, %scan3A_574 = %broadcast_in_dim3A_16, %scan3A_575 = %broadcast_in_dim3A_18) -> (vector<16xf32>, vector<16xi32>, vector<16xf32>, vector<16xi32>, vector<16xf32>, vector<16xi32>, vector<16xf32>, vector<16xi32>, vector<16xf32>, vector<16xi32>)  : i32 {
        %mul3A_576 = arith.constant 16 : i32
        %mul3A_577 = arith.muli %scan3A_565, %mul3A_576 : i32
        %get3A_578 = arith.index_cast %scan3A_9 : i32 to index
        %get3A_579 = arith.index_cast %mul3A_577 : i32 to index
        %get3A_580 = tpu.vector_load %arg7[%get3A_578, %get3A_579] {strides = array<i32>} : memref<32x784xf32, #tpu.memory_space<vmem>>, vector<16xf32>,
        %mul3A_581 = arith.constant 16 : i32
        %mul3A_582 = arith.muli %scan3A_565, %mul3A_581 : i32
        %add3A_583 = vector.broadcast %mul3A_582 : i32 to vector<16xi32>
        %add3A_584 = arith.addi %add3A_583, %iota3A : vector<16xi32>
        %slice3A_585 = vector.extract_strided_slice %scan3A_566 {offsets = [0], sizes = [1], strides = [1]} : vector<16xf32> to vector<1xf32>
        %squeeze3A_586 = vector.extract %slice3A_585[0] : f32 from vector<1xf32>
        %gt3A_587 = vector.broadcast %squeeze3A_586 : f32 to vector<16xf32>
        %gt3A_588 = arith.cmpf ogt, %get3A_580, %gt3A_587 : vector<16xf32>
        %all_reduce_population_count3A = tpu.all_reduce %gt3A_588 {dim = 0 : i64, kind = #tpu.reduction_kind<sum>} : vector<16xi1> -> vector<16xi32>
        %slice3A_589 = vector.extract_strided_slice %all_reduce_population_count3A {offsets = [0], sizes = [1], strides = [1]} : vector<16xi32> to vector<1xi32>
        %squeeze3A_590 = vector.extract %slice3A_589[0] : i32 from vector<1xi32>
        %gt3A_591 = arith.constant 0 : i32
        %gt3A_592 = arith.cmpi sgt, %squeeze3A_590, %gt3A_591 : i32
        %convert_element_type3A = arith.extui %gt3A_592 : i1 to i32
        %cond3A = arith.constant 0 : i32
        %cond3A_593 = arith.cmpi ne, %convert_element_type3A, %cond3A : i32
        %cond3A_594:10 = scf.if %cond3A_593 -> (vector<16xf32>, vector<16xi32>, vector<16xf32>, vector<16xi32>, vector<16xf32>, vector<16xi32>, vector<16xf32>, vector<16xi32>, vector<16xf32>, vector<16xi32>) {
          %masked_sort3A_595 = arith.constant dense<true> : vector<16xi1>
          %masked_sort3A_596, %masked_sort3A_597, %masked_sort3A_598 = tpu.sort %get3A_580, %add3A_584 masked %masked_sort3A_595 : (vector<16xf32>, vector<16xi32>, vector<16xi1>) -> (vector<16xi1>, vector<16xf32>, vector<16xi32>)
          %rev3A_599 = arith.constant 15 : i32
          %rev3A_600 = vector.broadcast %rev3A_599 : i32 to vector<16xi32>
          %rev3A_601 = tpu.iota {dimensions = array<i32: 0>} : vector<16xi32>
          %rev3A_602 = arith.subi %rev3A_600, %rev3A_601 : vector<16xi32>
          %rev3A_603 = tpu.dynamic_gather %masked_sort3A_597[%rev3A_602] in [0] : vector<16xf32>, vector<16xi32> -> vector<16xf32>
          %rev3A_604 = arith.constant 15 : i32
          %rev3A_605 = vector.broadcast %rev3A_604 : i32 to vector<16xi32>
          %rev3A_606 = tpu.iota {dimensions = array<i32: 0>} : vector<16xi32>
          %rev3A_607 = arith.subi %rev3A_605, %rev3A_606 : vector<16xi32>
          %rev3A_608 = tpu.dynamic_gather %masked_sort3A_598[%rev3A_607] in [0] : vector<16xi32>, vector<16xi32> -> vector<16xi32>
          %gt3A_609 = arith.cmpf ogt, %scan3A_566, %rev3A_603 : vector<16xf32>
          %select_n3A_610 = arith.select %gt3A_609, %scan3A_566, %rev3A_603 : vector<16xi1>, vector<16xf32>
          %select_n3A_611 = arith.select %gt3A_609, %scan3A_567, %rev3A_608 : vector<16xi1>, vector<16xi32>
          %select_n3A_612 = arith.select %gt3A_609, %rev3A_603, %scan3A_566 : vector<16xi1>, vector<16xf32>
          %select_n3A_613 = arith.select %gt3A_609, %rev3A_608, %scan3A_567 : vector<16xi1>, vector<16xi32>
          %masked_sort3A_614 = arith.constant dense<true> : vector<16xi1>
          %masked_sort3A_615, %masked_sort3A_616, %masked_sort3A_617 = tpu.sort %select_n3A_612, %select_n3A_613 masked %masked_sort3A_614 : (vector<16xf32>, vector<16xi32>, vector<16xi1>) -> (vector<16xi1>, vector<16xf32>, vector<16xi32>)
          %masked_sort3A_618 = arith.constant dense<true> : vector<16xi1>
          %masked_sort3A_619, %masked_sort3A_620, %masked_sort3A_621 = tpu.sort %select_n3A_610, %select_n3A_611 masked %masked_sort3A_618 : (vector<16xf32>, vector<16xi32>, vector<16xi1>) -> (vector<16xi1>, vector<16xf32>, vector<16xi32>)
          %rev3A_622 = arith.constant 15 : i32
          %rev3A_623 = vector.broadcast %rev3A_622 : i32 to vector<16xi32>
          %rev3A_624 = tpu.iota {dimensions = array<i32: 0>} : vector<16xi32>
          %rev3A_625 = arith.subi %rev3A_623, %rev3A_624 : vector<16xi32>
          %rev3A_626 = tpu.dynamic_gather %scan3A_568[%rev3A_625] in [0] : vector<16xf32>, vector<16xi32> -> vector<16xf32>
          %rev3A_627 = arith.constant 15 : i32
          %rev3A_628 = vector.broadcast %rev3A_627 : i32 to vector<16xi32>
          %rev3A_629 = tpu.iota {dimensions = array<i32: 0>} : vector<16xi32>
          %rev3A_630 = arith.subi %rev3A_628, %rev3A_629 : vector<16xi32>
          %rev3A_631 = tpu.dynamic_gather %scan3A_569[%rev3A_630] in [0] : vector<16xi32>, vector<16xi32> -> vector<16xi32>
          %gt3A_632 = arith.cmpf ogt, %masked_sort3A_620, %rev3A_626 : vector<16xf32>
          %select_n3A_633 = arith.select %gt3A_632, %masked_sort3A_620, %rev3A_626 : vector<16xi1>, vector<16xf32>
          %select_n3A_634 = arith.select %gt3A_632, %masked_sort3A_621, %rev3A_631 : vector<16xi1>, vector<16xi32>
          %select_n3A_635 = arith.select %gt3A_632, %rev3A_626, %masked_sort3A_620 : vector<16xi1>, vector<16xf32>
          %select_n3A_636 = arith.select %gt3A_632, %rev3A_631, %masked_sort3A_621 : vector<16xi1>, vector<16xi32>
          %masked_sort3A_637 = arith.constant dense<true> : vector<16xi1>
          %masked_sort3A_638, %masked_sort3A_639, %masked_sort3A_640 = tpu.sort %select_n3A_635, %select_n3A_636 masked %masked_sort3A_637 : (vector<16xf32>, vector<16xi32>, vector<16xi1>) -> (vector<16xi1>, vector<16xf32>, vector<16xi32>)
          %masked_sort3A_641 = arith.constant dense<true> : vector<16xi1>
          %masked_sort3A_642, %masked_sort3A_643, %masked_sort3A_644 = tpu.sort %select_n3A_633, %select_n3A_634 masked %masked_sort3A_641 : (vector<16xf32>, vector<16xi32>, vector<16xi1>) -> (vector<16xi1>, vector<16xf32>, vector<16xi32>)
          %rev3A_645 = arith.constant 15 : i32
          %rev3A_646 = vector.broadcast %rev3A_645 : i32 to vector<16xi32>
          %rev3A_647 = tpu.iota {dimensions = array<i32: 0>} : vector<16xi32>
          %rev3A_648 = arith.subi %rev3A_646, %rev3A_647 : vector<16xi32>
          %rev3A_649 = tpu.dynamic_gather %scan3A_570[%rev3A_648] in [0] : vector<16xf32>, vector<16xi32> -> vector<16xf32>
          %rev3A_650 = arith.constant 15 : i32
          %rev3A_651 = vector.broadcast %rev3A_650 : i32 to vector<16xi32>
          %rev3A_652 = tpu.iota {dimensions = array<i32: 0>} : vector<16xi32>
          %rev3A_653 = arith.subi %rev3A_651, %rev3A_652 : vector<16xi32>
          %rev3A_654 = tpu.dynamic_gather %scan3A_571[%rev3A_653] in [0] : vector<16xi32>, vector<16xi32> -> vector<16xi32>
          %gt3A_655 = arith.cmpf ogt, %masked_sort3A_643, %rev3A_649 : vector<16xf32>
          %select_n3A_656 = arith.select %gt3A_655, %masked_sort3A_643, %rev3A_649 : vector<16xi1>, vector<16xf32>
          %select_n3A_657 = arith.select %gt3A_655, %masked_sort3A_644, %rev3A_654 : vector<16xi1>, vector<16xi32>
          %select_n3A_658 = arith.select %gt3A_655, %rev3A_649, %masked_sort3A_643 : vector<16xi1>, vector<16xf32>
          %select_n3A_659 = arith.select %gt3A_655, %rev3A_654, %masked_sort3A_644 : vector<16xi1>, vector<16xi32>
          %masked_sort3A_660 = arith.constant dense<true> : vector<16xi1>
          %masked_sort3A_661, %masked_sort3A_662, %masked_sort3A_663 = tpu.sort %select_n3A_658, %select_n3A_659 masked %masked_sort3A_660 : (vector<16xf32>, vector<16xi32>, vector<16xi1>) -> (vector<16xi1>, vector<16xf32>, vector<16xi32>)
          %masked_sort3A_664 = arith.constant dense<true> : vector<16xi1>
          %masked_sort3A_665, %masked_sort3A_666, %masked_sort3A_667 = tpu.sort %select_n3A_656, %select_n3A_657 masked %masked_sort3A_664 : (vector<16xf32>, vector<16xi32>, vector<16xi1>) -> (vector<16xi1>, vector<16xf32>, vector<16xi32>)
          %rev3A_668 = arith.constant 15 : i32
          %rev3A_669 = vector.broadcast %rev3A_668 : i32 to vector<16xi32>
          %rev3A_670 = tpu.iota {dimensions = array<i32: 0>} : vector<16xi32>
          %rev3A_671 = arith.subi %rev3A_669, %rev3A_670 : vector<16xi32>
          %rev3A_672 = tpu.dynamic_gather %scan3A_572[%rev3A_671] in [0] : vector<16xf32>, vector<16xi32> -> vector<16xf32>
          %rev3A_673 = arith.constant 15 : i32
          %rev3A_674 = vector.broadcast %rev3A_673 : i32 to vector<16xi32>
          %rev3A_675 = tpu.iota {dimensions = array<i32: 0>} : vector<16xi32>
          %rev3A_676 = arith.subi %rev3A_674, %rev3A_675 : vector<16xi32>
          %rev3A_677 = tpu.dynamic_gather %scan3A_573[%rev3A_676] in [0] : vector<16xi32>, vector<16xi32> -> vector<16xi32>
          %gt3A_678 = arith.cmpf ogt, %masked_sort3A_666, %rev3A_672 : vector<16xf32>
          %select_n3A_679 = arith.select %gt3A_678, %masked_sort3A_666, %rev3A_672 : vector<16xi1>, vector<16xf32>
          %select_n3A_680 = arith.select %gt3A_678, %masked_sort3A_667, %rev3A_677 : vector<16xi1>, vector<16xi32>
          %select_n3A_681 = arith.select %gt3A_678, %rev3A_672, %masked_sort3A_666 : vector<16xi1>, vector<16xf32>
          %select_n3A_682 = arith.select %gt3A_678, %rev3A_677, %masked_sort3A_667 : vector<16xi1>, vector<16xi32>
          %masked_sort3A_683 = arith.constant dense<true> : vector<16xi1>
          %masked_sort3A_684, %masked_sort3A_685, %masked_sort3A_686 = tpu.sort %select_n3A_681, %select_n3A_682 masked %masked_sort3A_683 : (vector<16xf32>, vector<16xi32>, vector<16xi1>) -> (vector<16xi1>, vector<16xf32>, vector<16xi32>)
          %masked_sort3A_687 = arith.constant dense<true> : vector<16xi1>
          %masked_sort3A_688, %masked_sort3A_689, %masked_sort3A_690 = tpu.sort %select_n3A_679, %select_n3A_680 masked %masked_sort3A_687 : (vector<16xf32>, vector<16xi32>, vector<16xi1>) -> (vector<16xi1>, vector<16xf32>, vector<16xi32>)
          %rev3A_691 = arith.constant 15 : i32
          %rev3A_692 = vector.broadcast %rev3A_691 : i32 to vector<16xi32>
          %rev3A_693 = tpu.iota {dimensions = array<i32: 0>} : vector<16xi32>
          %rev3A_694 = arith.subi %rev3A_692, %rev3A_693 : vector<16xi32>
          %rev3A_695 = tpu.dynamic_gather %scan3A_574[%rev3A_694] in [0] : vector<16xf32>, vector<16xi32> -> vector<16xf32>
          %rev3A_696 = arith.constant 15 : i32
          %rev3A_697 = vector.broadcast %rev3A_696 : i32 to vector<16xi32>
          %rev3A_698 = tpu.iota {dimensions = array<i32: 0>} : vector<16xi32>
          %rev3A_699 = arith.subi %rev3A_697, %rev3A_698 : vector<16xi32>
          %rev3A_700 = tpu.dynamic_gather %scan3A_575[%rev3A_699] in [0] : vector<16xi32>, vector<16xi32> -> vector<16xi32>
          %gt3A_701 = arith.cmpf ogt, %masked_sort3A_689, %rev3A_695 : vector<16xf32>
          %select_n3A_702 = arith.select %gt3A_701, %masked_sort3A_689, %rev3A_695 : vector<16xi1>, vector<16xf32>
          %select_n3A_703 = arith.select %gt3A_701, %masked_sort3A_690, %rev3A_700 : vector<16xi1>, vector<16xi32>
          %select_n3A_704 = arith.select %gt3A_701, %rev3A_695, %masked_sort3A_689 : vector<16xi1>, vector<16xf32>
          %select_n3A_705 = arith.select %gt3A_701, %rev3A_700, %masked_sort3A_690 : vector<16xi1>, vector<16xi32>
          %masked_sort3A_706 = arith.constant dense<true> : vector<16xi1>
          %masked_sort3A_707, %masked_sort3A_708, %masked_sort3A_709 = tpu.sort %select_n3A_704, %select_n3A_705 masked %masked_sort3A_706 : (vector<16xf32>, vector<16xi32>, vector<16xi1>) -> (vector<16xi1>, vector<16xf32>, vector<16xi32>)
          %masked_sort3A_710 = arith.constant dense<true> : vector<16xi1>
          %masked_sort3A_711, %masked_sort3A_712, %masked_sort3A_713 = tpu.sort %select_n3A_702, %select_n3A_703 masked %masked_sort3A_710 : (vector<16xf32>, vector<16xi32>, vector<16xi1>) -> (vector<16xi1>, vector<16xf32>, vector<16xi32>)
          scf.yield %masked_sort3A_639, %masked_sort3A_640, %masked_sort3A_662, %masked_sort3A_663, %masked_sort3A_685, %masked_sort3A_686, %masked_sort3A_708, %masked_sort3A_709, %masked_sort3A_712, %masked_sort3A_713 : vector<16xf32>, vector<16xi32>, vector<16xf32>, vector<16xi32>, vector<16xf32>, vector<16xi32>, vector<16xf32>, vector<16xi32>, vector<16xf32>, vector<16xi32>
        } else {
          scf.yield %scan3A_566, %scan3A_567, %scan3A_568, %scan3A_569, %scan3A_570, %scan3A_571, %scan3A_572, %scan3A_573, %scan3A_574, %scan3A_575 : vector<16xf32>, vector<16xi32>, vector<16xf32>, vector<16xi32>, vector<16xf32>, vector<16xi32>, vector<16xf32>, vector<16xi32>, vector<16xf32>, vector<16xi32>
        }
        scf.yield %cond3A_594#0, %cond3A_594#1, %cond3A_594#2, %cond3A_594#3, %cond3A_594#4, %cond3A_594#5, %cond3A_594#6, %cond3A_594#7, %cond3A_594#8, %cond3A_594#9 : vector<16xf32>, vector<16xi32>, vector<16xf32>, vector<16xi32>, vector<16xf32>, vector<16xi32>, vector<16xf32>, vector<16xi32>, vector<16xf32>, vector<16xi32>
      }
      %scan3A_24 = arith.constant 49 : i32
      %masked_sort3A = arith.constant dense<true> : vector<16xi1>
      %masked_sort3A_25 = arith.constant -2147483648 : i32
      %masked_sort3A_26 = vector.broadcast %masked_sort3A_25 : i32 to vector<16xi32>
      %masked_sort3A_27 = arith.xori %scan3A_23#1, %masked_sort3A_26 : vector<16xi32>
      %masked_sort3A_28, %masked_sort3A_29, %masked_sort3A_30 = tpu.sort %masked_sort3A_27, %scan3A_23#0 masked %masked_sort3A : (vector<16xi32>, vector<16xf32>, vector<16xi1>) -> (vector<16xi1>, vector<16xi32>, vector<16xf32>)
      %masked_sort3A_31 = arith.xori %masked_sort3A_29, %masked_sort3A_26 : vector<16xi32>
      %masked_sort3A_32 = arith.constant dense<true> : vector<16xi1>
      %masked_sort3A_33 = arith.constant -2147483648 : i32
      %masked_sort3A_34 = vector.broadcast %masked_sort3A_33 : i32 to vector<16xi32>
      %masked_sort3A_35 = arith.xori %scan3A_23#3, %masked_sort3A_34 : vector<16xi32>
      %masked_sort3A_36, %masked_sort3A_37, %masked_sort3A_38 = tpu.sort %masked_sort3A_35, %scan3A_23#2 masked %masked_sort3A_32 : (vector<16xi32>, vector<16xf32>, vector<16xi1>) -> (vector<16xi1>, vector<16xi32>, vector<16xf32>)
      %masked_sort3A_39 = arith.xori %masked_sort3A_37, %masked_sort3A_34 : vector<16xi32>
      %rev3A = arith.constant 15 : i32
      %rev3A_40 = vector.broadcast %rev3A : i32 to vector<16xi32>
      %rev3A_41 = tpu.iota {dimensions = array<i32: 0>} : vector<16xi32>
      %rev3A_42 = arith.subi %rev3A_40, %rev3A_41 : vector<16xi32>
      %rev3A_43 = tpu.dynamic_gather %masked_sort3A_39[%rev3A_42] in [0] : vector<16xi32>, vector<16xi32> -> vector<16xi32>
      %rev3A_44 = arith.constant 15 : i32
      %rev3A_45 = vector.broadcast %rev3A_44 : i32 to vector<16xi32>
      %rev3A_46 = tpu.iota {dimensions = array<i32: 0>} : vector<16xi32>
      %rev3A_47 = arith.subi %rev3A_45, %rev3A_46 : vector<16xi32>
      %rev3A_48 = tpu.dynamic_gather %masked_sort3A_38[%rev3A_47] in [0] : vector<16xf32>, vector<16xi32> -> vector<16xf32>
      %gt3A = arith.cmpi sgt, %masked_sort3A_31, %rev3A_43 : vector<16xi32>
      %select_n3A = arith.select %gt3A, %masked_sort3A_31, %rev3A_43 : vector<16xi1>, vector<16xi32>
      %select_n3A_49 = arith.select %gt3A, %masked_sort3A_30, %rev3A_48 : vector<16xi1>, vector<16xf32>
      %select_n3A_50 = arith.select %gt3A, %rev3A_43, %masked_sort3A_31 : vector<16xi1>, vector<16xi32>
      %select_n3A_51 = arith.select %gt3A, %rev3A_48, %masked_sort3A_30 : vector<16xi1>, vector<16xf32>
      %masked_sort3A_52 = arith.constant dense<true> : vector<16xi1>
      %masked_sort3A_53 = arith.constant -2147483648 : i32
      %masked_sort3A_54 = vector.broadcast %masked_sort3A_53 : i32 to vector<16xi32>
      %masked_sort3A_55 = arith.xori %select_n3A_50, %masked_sort3A_54 : vector<16xi32>
      %masked_sort3A_56, %masked_sort3A_57, %masked_sort3A_58 = tpu.sort %masked_sort3A_55, %select_n3A_51 masked %masked_sort3A_52 : (vector<16xi32>, vector<16xf32>, vector<16xi1>) -> (vector<16xi1>, vector<16xi32>, vector<16xf32>)
      %masked_sort3A_59 = arith.xori %masked_sort3A_57, %masked_sort3A_54 : vector<16xi32>
      %masked_sort3A_60 = arith.constant dense<true> : vector<16xi1>
      %masked_sort3A_61 = arith.constant -2147483648 : i32
      %masked_sort3A_62 = vector.broadcast %masked_sort3A_61 : i32 to vector<16xi32>
      %masked_sort3A_63 = arith.xori %select_n3A, %masked_sort3A_62 : vector<16xi32>
      %masked_sort3A_64, %masked_sort3A_65, %masked_sort3A_66 = tpu.sort %masked_sort3A_63, %select_n3A_49 masked %masked_sort3A_60 : (vector<16xi32>, vector<16xf32>, vector<16xi1>) -> (vector<16xi1>, vector<16xi32>, vector<16xf32>)
      %masked_sort3A_67 = arith.xori %masked_sort3A_65, %masked_sort3A_62 : vector<16xi32>
      %masked_sort3A_68 = arith.constant dense<true> : vector<16xi1>
      %masked_sort3A_69 = arith.constant -2147483648 : i32
      %masked_sort3A_70 = vector.broadcast %masked_sort3A_69 : i32 to vector<16xi32>
      %masked_sort3A_71 = arith.xori %scan3A_23#5, %masked_sort3A_70 : vector<16xi32>
      %masked_sort3A_72, %masked_sort3A_73, %masked_sort3A_74 = tpu.sort %masked_sort3A_71, %scan3A_23#4 masked %masked_sort3A_68 : (vector<16xi32>, vector<16xf32>, vector<16xi1>) -> (vector<16xi1>, vector<16xi32>, vector<16xf32>)
      %masked_sort3A_75 = arith.xori %masked_sort3A_73, %masked_sort3A_70 : vector<16xi32>
      %rev3A_76 = arith.constant 15 : i32
      %rev3A_77 = vector.broadcast %rev3A_76 : i32 to vector<16xi32>
      %rev3A_78 = tpu.iota {dimensions = array<i32: 0>} : vector<16xi32>
      %rev3A_79 = arith.subi %rev3A_77, %rev3A_78 : vector<16xi32>
      %rev3A_80 = tpu.dynamic_gather %masked_sort3A_75[%rev3A_79] in [0] : vector<16xi32>, vector<16xi32> -> vector<16xi32>
      %rev3A_81 = arith.constant 15 : i32
      %rev3A_82 = vector.broadcast %rev3A_81 : i32 to vector<16xi32>
      %rev3A_83 = tpu.iota {dimensions = array<i32: 0>} : vector<16xi32>
      %rev3A_84 = arith.subi %rev3A_82, %rev3A_83 : vector<16xi32>
      %rev3A_85 = tpu.dynamic_gather %masked_sort3A_74[%rev3A_84] in [0] : vector<16xf32>, vector<16xi32> -> vector<16xf32>
      %gt3A_86 = arith.cmpi sgt, %masked_sort3A_59, %rev3A_80 : vector<16xi32>
      %select_n3A_87 = arith.select %gt3A_86, %masked_sort3A_59, %rev3A_80 : vector<16xi1>, vector<16xi32>
      %select_n3A_88 = arith.select %gt3A_86, %masked_sort3A_58, %rev3A_85 : vector<16xi1>, vector<16xf32>
      %select_n3A_89 = arith.select %gt3A_86, %rev3A_80, %masked_sort3A_59 : vector<16xi1>, vector<16xi32>
      %select_n3A_90 = arith.select %gt3A_86, %rev3A_85, %masked_sort3A_58 : vector<16xi1>, vector<16xf32>
      %masked_sort3A_91 = arith.constant dense<true> : vector<16xi1>
      %masked_sort3A_92 = arith.constant -2147483648 : i32
      %masked_sort3A_93 = vector.broadcast %masked_sort3A_92 : i32 to vector<16xi32>
      %masked_sort3A_94 = arith.xori %select_n3A_89, %masked_sort3A_93 : vector<16xi32>
      %masked_sort3A_95, %masked_sort3A_96, %masked_sort3A_97 = tpu.sort %masked_sort3A_94, %select_n3A_90 masked %masked_sort3A_91 : (vector<16xi32>, vector<16xf32>, vector<16xi1>) -> (vector<16xi1>, vector<16xi32>, vector<16xf32>)
      %masked_sort3A_98 = arith.xori %masked_sort3A_96, %masked_sort3A_93 : vector<16xi32>
      %masked_sort3A_99 = arith.constant dense<true> : vector<16xi1>
      %masked_sort3A_100 = arith.constant -2147483648 : i32
      %masked_sort3A_101 = vector.broadcast %masked_sort3A_100 : i32 to vector<16xi32>
      %masked_sort3A_102 = arith.xori %select_n3A_87, %masked_sort3A_101 : vector<16xi32>
      %masked_sort3A_103, %masked_sort3A_104, %masked_sort3A_105 = tpu.sort %masked_sort3A_102, %select_n3A_88 masked %masked_sort3A_99 : (vector<16xi32>, vector<16xf32>, vector<16xi1>) -> (vector<16xi1>, vector<16xi32>, vector<16xf32>)
      %masked_sort3A_106 = arith.xori %masked_sort3A_104, %masked_sort3A_101 : vector<16xi32>
      %rev3A_107 = arith.constant 15 : i32
      %rev3A_108 = vector.broadcast %rev3A_107 : i32 to vector<16xi32>
      %rev3A_109 = tpu.iota {dimensions = array<i32: 0>} : vector<16xi32>
      %rev3A_110 = arith.subi %rev3A_108, %rev3A_109 : vector<16xi32>
      %rev3A_111 = tpu.dynamic_gather %masked_sort3A_106[%rev3A_110] in [0] : vector<16xi32>, vector<16xi32> -> vector<16xi32>
      %rev3A_112 = arith.constant 15 : i32
      %rev3A_113 = vector.broadcast %rev3A_112 : i32 to vector<16xi32>
      %rev3A_114 = tpu.iota {dimensions = array<i32: 0>} : vector<16xi32>
      %rev3A_115 = arith.subi %rev3A_113, %rev3A_114 : vector<16xi32>
      %rev3A_116 = tpu.dynamic_gather %masked_sort3A_105[%rev3A_115] in [0] : vector<16xf32>, vector<16xi32> -> vector<16xf32>
      %gt3A_117 = arith.cmpi sgt, %masked_sort3A_67, %rev3A_111 : vector<16xi32>
      %select_n3A_118 = arith.select %gt3A_117, %masked_sort3A_67, %rev3A_111 : vector<16xi1>, vector<16xi32>
      %select_n3A_119 = arith.select %gt3A_117, %masked_sort3A_66, %rev3A_116 : vector<16xi1>, vector<16xf32>
      %select_n3A_120 = arith.select %gt3A_117, %rev3A_111, %masked_sort3A_67 : vector<16xi1>, vector<16xi32>
      %select_n3A_121 = arith.select %gt3A_117, %rev3A_116, %masked_sort3A_66 : vector<16xi1>, vector<16xf32>
      %masked_sort3A_122 = arith.constant dense<true> : vector<16xi1>
      %masked_sort3A_123 = arith.constant -2147483648 : i32
      %masked_sort3A_124 = vector.broadcast %masked_sort3A_123 : i32 to vector<16xi32>
      %masked_sort3A_125 = arith.xori %select_n3A_120, %masked_sort3A_124 : vector<16xi32>
      %masked_sort3A_126, %masked_sort3A_127, %masked_sort3A_128 = tpu.sort %masked_sort3A_125, %select_n3A_121 masked %masked_sort3A_122 : (vector<16xi32>, vector<16xf32>, vector<16xi1>) -> (vector<16xi1>, vector<16xi32>, vector<16xf32>)
      %masked_sort3A_129 = arith.xori %masked_sort3A_127, %masked_sort3A_124 : vector<16xi32>
      %masked_sort3A_130 = arith.constant dense<true> : vector<16xi1>
      %masked_sort3A_131 = arith.constant -2147483648 : i32
      %masked_sort3A_132 = vector.broadcast %masked_sort3A_131 : i32 to vector<16xi32>
      %masked_sort3A_133 = arith.xori %select_n3A_118, %masked_sort3A_132 : vector<16xi32>
      %masked_sort3A_134, %masked_sort3A_135, %masked_sort3A_136 = tpu.sort %masked_sort3A_133, %select_n3A_119 masked %masked_sort3A_130 : (vector<16xi32>, vector<16xf32>, vector<16xi1>) -> (vector<16xi1>, vector<16xi32>, vector<16xf32>)
      %masked_sort3A_137 = arith.xori %masked_sort3A_135, %masked_sort3A_132 : vector<16xi32>
      %masked_sort3A_138 = arith.constant dense<true> : vector<16xi1>
      %masked_sort3A_139 = arith.constant -2147483648 : i32
      %masked_sort3A_140 = vector.broadcast %masked_sort3A_139 : i32 to vector<16xi32>
      %masked_sort3A_141 = arith.xori %scan3A_23#7, %masked_sort3A_140 : vector<16xi32>
      %masked_sort3A_142, %masked_sort3A_143, %masked_sort3A_144 = tpu.sort %masked_sort3A_141, %scan3A_23#6 masked %masked_sort3A_138 : (vector<16xi32>, vector<16xf32>, vector<16xi1>) -> (vector<16xi1>, vector<16xi32>, vector<16xf32>)
      %masked_sort3A_145 = arith.xori %masked_sort3A_143, %masked_sort3A_140 : vector<16xi32>
      %rev3A_146 = arith.constant 15 : i32
      %rev3A_147 = vector.broadcast %rev3A_146 : i32 to vector<16xi32>
      %rev3A_148 = tpu.iota {dimensions = array<i32: 0>} : vector<16xi32>
      %rev3A_149 = arith.subi %rev3A_147, %rev3A_148 : vector<16xi32>
      %rev3A_150 = tpu.dynamic_gather %masked_sort3A_145[%rev3A_149] in [0] : vector<16xi32>, vector<16xi32> -> vector<16xi32>
      %rev3A_151 = arith.constant 15 : i32
      %rev3A_152 = vector.broadcast %rev3A_151 : i32 to vector<16xi32>
      %rev3A_153 = tpu.iota {dimensions = array<i32: 0>} : vector<16xi32>
      %rev3A_154 = arith.subi %rev3A_152, %rev3A_153 : vector<16xi32>
      %rev3A_155 = tpu.dynamic_gather %masked_sort3A_144[%rev3A_154] in [0] : vector<16xf32>, vector<16xi32> -> vector<16xf32>
      %gt3A_156 = arith.cmpi sgt, %masked_sort3A_98, %rev3A_150 : vector<16xi32>
      %select_n3A_157 = arith.select %gt3A_156, %masked_sort3A_98, %rev3A_150 : vector<16xi1>, vector<16xi32>
      %select_n3A_158 = arith.select %gt3A_156, %masked_sort3A_97, %rev3A_155 : vector<16xi1>, vector<16xf32>
      %select_n3A_159 = arith.select %gt3A_156, %rev3A_150, %masked_sort3A_98 : vector<16xi1>, vector<16xi32>
      %select_n3A_160 = arith.select %gt3A_156, %rev3A_155, %masked_sort3A_97 : vector<16xi1>, vector<16xf32>
      %masked_sort3A_161 = arith.constant dense<true> : vector<16xi1>
      %masked_sort3A_162 = arith.constant -2147483648 : i32
      %masked_sort3A_163 = vector.broadcast %masked_sort3A_162 : i32 to vector<16xi32>
      %masked_sort3A_164 = arith.xori %select_n3A_159, %masked_sort3A_163 : vector<16xi32>
      %masked_sort3A_165, %masked_sort3A_166, %masked_sort3A_167 = tpu.sort %masked_sort3A_164, %select_n3A_160 masked %masked_sort3A_161 : (vector<16xi32>, vector<16xf32>, vector<16xi1>) -> (vector<16xi1>, vector<16xi32>, vector<16xf32>)
      %masked_sort3A_168 = arith.xori %masked_sort3A_166, %masked_sort3A_163 : vector<16xi32>
      %masked_sort3A_169 = arith.constant dense<true> : vector<16xi1>
      %masked_sort3A_170 = arith.constant -2147483648 : i32
      %masked_sort3A_171 = vector.broadcast %masked_sort3A_170 : i32 to vector<16xi32>
      %masked_sort3A_172 = arith.xori %select_n3A_157, %masked_sort3A_171 : vector<16xi32>
      %masked_sort3A_173, %masked_sort3A_174, %masked_sort3A_175 = tpu.sort %masked_sort3A_172, %select_n3A_158 masked %masked_sort3A_169 : (vector<16xi32>, vector<16xf32>, vector<16xi1>) -> (vector<16xi1>, vector<16xi32>, vector<16xf32>)
      %masked_sort3A_176 = arith.xori %masked_sort3A_174, %masked_sort3A_171 : vector<16xi32>
      %rev3A_177 = arith.constant 15 : i32
      %rev3A_178 = vector.broadcast %rev3A_177 : i32 to vector<16xi32>
      %rev3A_179 = tpu.iota {dimensions = array<i32: 0>} : vector<16xi32>
      %rev3A_180 = arith.subi %rev3A_178, %rev3A_179 : vector<16xi32>
      %rev3A_181 = tpu.dynamic_gather %masked_sort3A_176[%rev3A_180] in [0] : vector<16xi32>, vector<16xi32> -> vector<16xi32>
      %rev3A_182 = arith.constant 15 : i32
      %rev3A_183 = vector.broadcast %rev3A_182 : i32 to vector<16xi32>
      %rev3A_184 = tpu.iota {dimensions = array<i32: 0>} : vector<16xi32>
      %rev3A_185 = arith.subi %rev3A_183, %rev3A_184 : vector<16xi32>
      %rev3A_186 = tpu.dynamic_gather %masked_sort3A_175[%rev3A_185] in [0] : vector<16xf32>, vector<16xi32> -> vector<16xf32>
      %gt3A_187 = arith.cmpi sgt, %masked_sort3A_129, %rev3A_181 : vector<16xi32>
      %select_n3A_188 = arith.select %gt3A_187, %masked_sort3A_129, %rev3A_181 : vector<16xi1>, vector<16xi32>
      %select_n3A_189 = arith.select %gt3A_187, %masked_sort3A_128, %rev3A_186 : vector<16xi1>, vector<16xf32>
      %select_n3A_190 = arith.select %gt3A_187, %rev3A_181, %masked_sort3A_129 : vector<16xi1>, vector<16xi32>
      %select_n3A_191 = arith.select %gt3A_187, %rev3A_186, %masked_sort3A_128 : vector<16xi1>, vector<16xf32>
      %masked_sort3A_192 = arith.constant dense<true> : vector<16xi1>
      %masked_sort3A_193 = arith.constant -2147483648 : i32
      %masked_sort3A_194 = vector.broadcast %masked_sort3A_193 : i32 to vector<16xi32>
      %masked_sort3A_195 = arith.xori %select_n3A_190, %masked_sort3A_194 : vector<16xi32>
      %masked_sort3A_196, %masked_sort3A_197, %masked_sort3A_198 = tpu.sort %masked_sort3A_195, %select_n3A_191 masked %masked_sort3A_192 : (vector<16xi32>, vector<16xf32>, vector<16xi1>) -> (vector<16xi1>, vector<16xi32>, vector<16xf32>)
      %masked_sort3A_199 = arith.xori %masked_sort3A_197, %masked_sort3A_194 : vector<16xi32>
      %masked_sort3A_200 = arith.constant dense<true> : vector<16xi1>
      %masked_sort3A_201 = arith.constant -2147483648 : i32
      %masked_sort3A_202 = vector.broadcast %masked_sort3A_201 : i32 to vector<16xi32>
      %masked_sort3A_203 = arith.xori %select_n3A_188, %masked_sort3A_202 : vector<16xi32>
      %masked_sort3A_204, %masked_sort3A_205, %masked_sort3A_206 = tpu.sort %masked_sort3A_203, %select_n3A_189 masked %masked_sort3A_200 : (vector<16xi32>, vector<16xf32>, vector<16xi1>) -> (vector<16xi1>, vector<16xi32>, vector<16xf32>)
      %masked_sort3A_207 = arith.xori %masked_sort3A_205, %masked_sort3A_202 : vector<16xi32>
      %rev3A_208 = arith.constant 15 : i32
      %rev3A_209 = vector.broadcast %rev3A_208 : i32 to vector<16xi32>
      %rev3A_210 = tpu.iota {dimensions = array<i32: 0>} : vector<16xi32>
      %rev3A_211 = arith.subi %rev3A_209, %rev3A_210 : vector<16xi32>
      %rev3A_212 = tpu.dynamic_gather %masked_sort3A_207[%rev3A_211] in [0] : vector<16xi32>, vector<16xi32> -> vector<16xi32>
      %rev3A_213 = arith.constant 15 : i32
      %rev3A_214 = vector.broadcast %rev3A_213 : i32 to vector<16xi32>
      %rev3A_215 = tpu.iota {dimensions = array<i32: 0>} : vector<16xi32>
      %rev3A_216 = arith.subi %rev3A_214, %rev3A_215 : vector<16xi32>
      %rev3A_217 = tpu.dynamic_gather %masked_sort3A_206[%rev3A_216] in [0] : vector<16xf32>, vector<16xi32> -> vector<16xf32>
      %gt3A_218 = arith.cmpi sgt, %masked_sort3A_137, %rev3A_212 : vector<16xi32>
      %select_n3A_219 = arith.select %gt3A_218, %masked_sort3A_137, %rev3A_212 : vector<16xi1>, vector<16xi32>
      %select_n3A_220 = arith.select %gt3A_218, %masked_sort3A_136, %rev3A_217 : vector<16xi1>, vector<16xf32>
      %select_n3A_221 = arith.select %gt3A_218, %rev3A_212, %masked_sort3A_137 : vector<16xi1>, vector<16xi32>
      %select_n3A_222 = arith.select %gt3A_218, %rev3A_217, %masked_sort3A_136 : vector<16xi1>, vector<16xf32>
      %masked_sort3A_223 = arith.constant dense<true> : vector<16xi1>
      %masked_sort3A_224 = arith.constant -2147483648 : i32
      %masked_sort3A_225 = vector.broadcast %masked_sort3A_224 : i32 to vector<16xi32>
      %masked_sort3A_226 = arith.xori %select_n3A_221, %masked_sort3A_225 : vector<16xi32>
      %masked_sort3A_227, %masked_sort3A_228, %masked_sort3A_229 = tpu.sort %masked_sort3A_226, %select_n3A_222 masked %masked_sort3A_223 : (vector<16xi32>, vector<16xf32>, vector<16xi1>) -> (vector<16xi1>, vector<16xi32>, vector<16xf32>)
      %masked_sort3A_230 = arith.xori %masked_sort3A_228, %masked_sort3A_225 : vector<16xi32>
      %masked_sort3A_231 = arith.constant dense<true> : vector<16xi1>
      %masked_sort3A_232 = arith.constant -2147483648 : i32
      %masked_sort3A_233 = vector.broadcast %masked_sort3A_232 : i32 to vector<16xi32>
      %masked_sort3A_234 = arith.xori %select_n3A_219, %masked_sort3A_233 : vector<16xi32>
      %masked_sort3A_235, %masked_sort3A_236, %masked_sort3A_237 = tpu.sort %masked_sort3A_234, %select_n3A_220 masked %masked_sort3A_231 : (vector<16xi32>, vector<16xf32>, vector<16xi1>) -> (vector<16xi1>, vector<16xi32>, vector<16xf32>)
      %masked_sort3A_238 = arith.xori %masked_sort3A_236, %masked_sort3A_233 : vector<16xi32>
      %masked_sort3A_239 = arith.constant dense<true> : vector<16xi1>
      %masked_sort3A_240 = arith.constant -2147483648 : i32
      %masked_sort3A_241 = vector.broadcast %masked_sort3A_240 : i32 to vector<16xi32>
      %masked_sort3A_242 = arith.xori %scan3A_23#9, %masked_sort3A_241 : vector<16xi32>
      %masked_sort3A_243, %masked_sort3A_244, %masked_sort3A_245 = tpu.sort %masked_sort3A_242, %scan3A_23#8 masked %masked_sort3A_239 : (vector<16xi32>, vector<16xf32>, vector<16xi1>) -> (vector<16xi1>, vector<16xi32>, vector<16xf32>)
      %masked_sort3A_246 = arith.xori %masked_sort3A_244, %masked_sort3A_241 : vector<16xi32>
      %rev3A_247 = arith.constant 15 : i32
      %rev3A_248 = vector.broadcast %rev3A_247 : i32 to vector<16xi32>
      %rev3A_249 = tpu.iota {dimensions = array<i32: 0>} : vector<16xi32>
      %rev3A_250 = arith.subi %rev3A_248, %rev3A_249 : vector<16xi32>
      %rev3A_251 = tpu.dynamic_gather %masked_sort3A_246[%rev3A_250] in [0] : vector<16xi32>, vector<16xi32> -> vector<16xi32>
      %rev3A_252 = arith.constant 15 : i32
      %rev3A_253 = vector.broadcast %rev3A_252 : i32 to vector<16xi32>
      %rev3A_254 = tpu.iota {dimensions = array<i32: 0>} : vector<16xi32>
      %rev3A_255 = arith.subi %rev3A_253, %rev3A_254 : vector<16xi32>
      %rev3A_256 = tpu.dynamic_gather %masked_sort3A_245[%rev3A_255] in [0] : vector<16xf32>, vector<16xi32> -> vector<16xf32>
      %gt3A_257 = arith.cmpi sgt, %masked_sort3A_168, %rev3A_251 : vector<16xi32>
      %select_n3A_258 = arith.select %gt3A_257, %masked_sort3A_168, %rev3A_251 : vector<16xi1>, vector<16xi32>
      %select_n3A_259 = arith.select %gt3A_257, %masked_sort3A_167, %rev3A_256 : vector<16xi1>, vector<16xf32>
      %select_n3A_260 = arith.select %gt3A_257, %rev3A_251, %masked_sort3A_168 : vector<16xi1>, vector<16xi32>
      %select_n3A_261 = arith.select %gt3A_257, %rev3A_256, %masked_sort3A_167 : vector<16xi1>, vector<16xf32>
      %masked_sort3A_262 = arith.constant dense<true> : vector<16xi1>
      %masked_sort3A_263 = arith.constant -2147483648 : i32
      %masked_sort3A_264 = vector.broadcast %masked_sort3A_263 : i32 to vector<16xi32>
      %masked_sort3A_265 = arith.xori %select_n3A_260, %masked_sort3A_264 : vector<16xi32>
      %masked_sort3A_266, %masked_sort3A_267, %masked_sort3A_268 = tpu.sort %masked_sort3A_265, %select_n3A_261 masked %masked_sort3A_262 : (vector<16xi32>, vector<16xf32>, vector<16xi1>) -> (vector<16xi1>, vector<16xi32>, vector<16xf32>)
      %masked_sort3A_269 = arith.xori %masked_sort3A_267, %masked_sort3A_264 : vector<16xi32>
      %masked_sort3A_270 = arith.constant dense<true> : vector<16xi1>
      %masked_sort3A_271 = arith.constant -2147483648 : i32
      %masked_sort3A_272 = vector.broadcast %masked_sort3A_271 : i32 to vector<16xi32>
      %masked_sort3A_273 = arith.xori %select_n3A_258, %masked_sort3A_272 : vector<16xi32>
      %masked_sort3A_274, %masked_sort3A_275, %masked_sort3A_276 = tpu.sort %masked_sort3A_273, %select_n3A_259 masked %masked_sort3A_270 : (vector<16xi32>, vector<16xf32>, vector<16xi1>) -> (vector<16xi1>, vector<16xi32>, vector<16xf32>)
      %masked_sort3A_277 = arith.xori %masked_sort3A_275, %masked_sort3A_272 : vector<16xi32>
      %rev3A_278 = arith.constant 15 : i32
      %rev3A_279 = vector.broadcast %rev3A_278 : i32 to vector<16xi32>
      %rev3A_280 = tpu.iota {dimensions = array<i32: 0>} : vector<16xi32>
      %rev3A_281 = arith.subi %rev3A_279, %rev3A_280 : vector<16xi32>
      %rev3A_282 = tpu.dynamic_gather %masked_sort3A_277[%rev3A_281] in [0] : vector<16xi32>, vector<16xi32> -> vector<16xi32>
      %rev3A_283 = arith.constant 15 : i32
      %rev3A_284 = vector.broadcast %rev3A_283 : i32 to vector<16xi32>
      %rev3A_285 = tpu.iota {dimensions = array<i32: 0>} : vector<16xi32>
      %rev3A_286 = arith.subi %rev3A_284, %rev3A_285 : vector<16xi32>
      %rev3A_287 = tpu.dynamic_gather %masked_sort3A_276[%rev3A_286] in [0] : vector<16xf32>, vector<16xi32> -> vector<16xf32>
      %gt3A_288 = arith.cmpi sgt, %masked_sort3A_199, %rev3A_282 : vector<16xi32>
      %select_n3A_289 = arith.select %gt3A_288, %masked_sort3A_199, %rev3A_282 : vector<16xi1>, vector<16xi32>
      %select_n3A_290 = arith.select %gt3A_288, %masked_sort3A_198, %rev3A_287 : vector<16xi1>, vector<16xf32>
      %select_n3A_291 = arith.select %gt3A_288, %rev3A_282, %masked_sort3A_199 : vector<16xi1>, vector<16xi32>
      %select_n3A_292 = arith.select %gt3A_288, %rev3A_287, %masked_sort3A_198 : vector<16xi1>, vector<16xf32>
      %masked_sort3A_293 = arith.constant dense<true> : vector<16xi1>
      %masked_sort3A_294 = arith.constant -2147483648 : i32
      %masked_sort3A_295 = vector.broadcast %masked_sort3A_294 : i32 to vector<16xi32>
      %masked_sort3A_296 = arith.xori %select_n3A_291, %masked_sort3A_295 : vector<16xi32>
      %masked_sort3A_297, %masked_sort3A_298, %masked_sort3A_299 = tpu.sort %masked_sort3A_296, %select_n3A_292 masked %masked_sort3A_293 : (vector<16xi32>, vector<16xf32>, vector<16xi1>) -> (vector<16xi1>, vector<16xi32>, vector<16xf32>)
      %masked_sort3A_300 = arith.xori %masked_sort3A_298, %masked_sort3A_295 : vector<16xi32>
      %masked_sort3A_301 = arith.constant dense<true> : vector<16xi1>
      %masked_sort3A_302 = arith.constant -2147483648 : i32
      %masked_sort3A_303 = vector.broadcast %masked_sort3A_302 : i32 to vector<16xi32>
      %masked_sort3A_304 = arith.xori %select_n3A_289, %masked_sort3A_303 : vector<16xi32>
      %masked_sort3A_305, %masked_sort3A_306, %masked_sort3A_307 = tpu.sort %masked_sort3A_304, %select_n3A_290 masked %masked_sort3A_301 : (vector<16xi32>, vector<16xf32>, vector<16xi1>) -> (vector<16xi1>, vector<16xi32>, vector<16xf32>)
      %masked_sort3A_308 = arith.xori %masked_sort3A_306, %masked_sort3A_303 : vector<16xi32>
      %rev3A_309 = arith.constant 15 : i32
      %rev3A_310 = vector.broadcast %rev3A_309 : i32 to vector<16xi32>
      %rev3A_311 = tpu.iota {dimensions = array<i32: 0>} : vector<16xi32>
      %rev3A_312 = arith.subi %rev3A_310, %rev3A_311 : vector<16xi32>
      %rev3A_313 = tpu.dynamic_gather %masked_sort3A_308[%rev3A_312] in [0] : vector<16xi32>, vector<16xi32> -> vector<16xi32>
      %rev3A_314 = arith.constant 15 : i32
      %rev3A_315 = vector.broadcast %rev3A_314 : i32 to vector<16xi32>
      %rev3A_316 = tpu.iota {dimensions = array<i32: 0>} : vector<16xi32>
      %rev3A_317 = arith.subi %rev3A_315, %rev3A_316 : vector<16xi32>
      %rev3A_318 = tpu.dynamic_gather %masked_sort3A_307[%rev3A_317] in [0] : vector<16xf32>, vector<16xi32> -> vector<16xf32>
      %gt3A_319 = arith.cmpi sgt, %masked_sort3A_230, %rev3A_313 : vector<16xi32>
      %select_n3A_320 = arith.select %gt3A_319, %masked_sort3A_230, %rev3A_313 : vector<16xi1>, vector<16xi32>
      %select_n3A_321 = arith.select %gt3A_319, %masked_sort3A_229, %rev3A_318 : vector<16xi1>, vector<16xf32>
      %select_n3A_322 = arith.select %gt3A_319, %rev3A_313, %masked_sort3A_230 : vector<16xi1>, vector<16xi32>
      %select_n3A_323 = arith.select %gt3A_319, %rev3A_318, %masked_sort3A_229 : vector<16xi1>, vector<16xf32>
      %masked_sort3A_324 = arith.constant dense<true> : vector<16xi1>
      %masked_sort3A_325 = arith.constant -2147483648 : i32
      %masked_sort3A_326 = vector.broadcast %masked_sort3A_325 : i32 to vector<16xi32>
      %masked_sort3A_327 = arith.xori %select_n3A_322, %masked_sort3A_326 : vector<16xi32>
      %masked_sort3A_328, %masked_sort3A_329, %masked_sort3A_330 = tpu.sort %masked_sort3A_327, %select_n3A_323 masked %masked_sort3A_324 : (vector<16xi32>, vector<16xf32>, vector<16xi1>) -> (vector<16xi1>, vector<16xi32>, vector<16xf32>)
      %masked_sort3A_331 = arith.xori %masked_sort3A_329, %masked_sort3A_326 : vector<16xi32>
      %masked_sort3A_332 = arith.constant dense<true> : vector<16xi1>
      %masked_sort3A_333 = arith.constant -2147483648 : i32
      %masked_sort3A_334 = vector.broadcast %masked_sort3A_333 : i32 to vector<16xi32>
      %masked_sort3A_335 = arith.xori %select_n3A_320, %masked_sort3A_334 : vector<16xi32>
      %masked_sort3A_336, %masked_sort3A_337, %masked_sort3A_338 = tpu.sort %masked_sort3A_335, %select_n3A_321 masked %masked_sort3A_332 : (vector<16xi32>, vector<16xf32>, vector<16xi1>) -> (vector<16xi1>, vector<16xi32>, vector<16xf32>)
      %masked_sort3A_339 = arith.xori %masked_sort3A_337, %masked_sort3A_334 : vector<16xi32>
      %rev3A_340 = arith.constant 15 : i32
      %rev3A_341 = vector.broadcast %rev3A_340 : i32 to vector<16xi32>
      %rev3A_342 = tpu.iota {dimensions = array<i32: 0>} : vector<16xi32>
      %rev3A_343 = arith.subi %rev3A_341, %rev3A_342 : vector<16xi32>
      %rev3A_344 = tpu.dynamic_gather %masked_sort3A_339[%rev3A_343] in [0] : vector<16xi32>, vector<16xi32> -> vector<16xi32>
      %rev3A_345 = arith.constant 15 : i32
      %rev3A_346 = vector.broadcast %rev3A_345 : i32 to vector<16xi32>
      %rev3A_347 = tpu.iota {dimensions = array<i32: 0>} : vector<16xi32>
      %rev3A_348 = arith.subi %rev3A_346, %rev3A_347 : vector<16xi32>
      %rev3A_349 = tpu.dynamic_gather %masked_sort3A_338[%rev3A_348] in [0] : vector<16xf32>, vector<16xi32> -> vector<16xf32>
      %gt3A_350 = arith.cmpi sgt, %masked_sort3A_238, %rev3A_344 : vector<16xi32>
      %select_n3A_351 = arith.select %gt3A_350, %masked_sort3A_238, %rev3A_344 : vector<16xi1>, vector<16xi32>
      %select_n3A_352 = arith.select %gt3A_350, %masked_sort3A_237, %rev3A_349 : vector<16xi1>, vector<16xf32>
      %select_n3A_353 = arith.select %gt3A_350, %rev3A_344, %masked_sort3A_238 : vector<16xi1>, vector<16xi32>
      %select_n3A_354 = arith.select %gt3A_350, %rev3A_349, %masked_sort3A_237 : vector<16xi1>, vector<16xf32>
      %masked_sort3A_355 = arith.constant dense<true> : vector<16xi1>
      %masked_sort3A_356 = arith.constant -2147483648 : i32
      %masked_sort3A_357 = vector.broadcast %masked_sort3A_356 : i32 to vector<16xi32>
      %masked_sort3A_358 = arith.xori %select_n3A_353, %masked_sort3A_357 : vector<16xi32>
      %masked_sort3A_359, %masked_sort3A_360, %masked_sort3A_361 = tpu.sort %masked_sort3A_358, %select_n3A_354 masked %masked_sort3A_355 : (vector<16xi32>, vector<16xf32>, vector<16xi1>) -> (vector<16xi1>, vector<16xi32>, vector<16xf32>)
      %masked_sort3A_362 = arith.xori %masked_sort3A_360, %masked_sort3A_357 : vector<16xi32>
      %masked_sort3A_363 = arith.constant dense<true> : vector<16xi1>
      %masked_sort3A_364 = arith.constant -2147483648 : i32
      %masked_sort3A_365 = vector.broadcast %masked_sort3A_364 : i32 to vector<16xi32>
      %masked_sort3A_366 = arith.xori %select_n3A_351, %masked_sort3A_365 : vector<16xi32>
      %masked_sort3A_367, %masked_sort3A_368, %masked_sort3A_369 = tpu.sort %masked_sort3A_366, %select_n3A_352 masked %masked_sort3A_363 : (vector<16xi32>, vector<16xf32>, vector<16xi1>) -> (vector<16xi1>, vector<16xi32>, vector<16xf32>)
      %masked_sort3A_370 = arith.xori %masked_sort3A_368, %masked_sort3A_365 : vector<16xi32>
      %mul3A_371 = arith.constant 784 : i32
      %mul3A_372 = arith.muli %add3A_11, %mul3A_371 : i32
      %add3A_373 = vector.broadcast %mul3A_372 : i32 to vector<16xi32>
      %add3A_374 = arith.addi %masked_sort3A_269, %add3A_373 : vector<16xi32>
      %swap3A = arith.constant 0 : index
      %swap3A_375 = tpu.vector_load %arg8[%swap3A] {strides = array<i32>} : memref<80xi32, #tpu.memory_space<vmem>>, vector<16xi32>,
      tpu.vector_store %arg8[%swap3A], %add3A_374 {strides = array<i32>} : memref<80xi32, #tpu.memory_space<vmem>>, vector<16xi32>,
      %mul3A_376 = arith.constant 128 : i32
      %mul3A_377 = vector.broadcast %mul3A_376 : i32 to vector<16xi32>
      %mul3A_378 = arith.muli %masked_sort3A_269, %mul3A_377 : vector<16xi32>
      %swap3A_379 = arith.constant 0 : index
      %swap3A_380 = tpu.vector_load %arg9[%swap3A_379] {strides = array<i32>} : memref<96xi32, #tpu.memory_space<vmem>>, vector<16xi32>,
      tpu.vector_store %arg9[%swap3A_379], %mul3A_378 {strides = array<i32>} : memref<96xi32, #tpu.memory_space<vmem>>, vector<16xi32>,
      %sub3A = vector.broadcast %squeeze3A : f32 to vector<16xf32>
      %sub3A_381 = arith.subf %masked_sort3A_268, %sub3A : vector<16xf32>
      %sub3A_382 = vector.broadcast %squeeze3A_15 : f32 to vector<16xf32>
      %sub3A_383 = arith.subf %sub3A_381, %sub3A_382 : vector<16xf32>
      %swap3A_384 = arith.constant 0 : index
      %swap3A_385 = tpu.vector_load %arg10[%swap3A_384] {strides = array<i32>} : memref<96xf32, #tpu.memory_space<vmem>>, vector<16xf32>,
      tpu.vector_store %arg10[%swap3A_384], %sub3A_383 {strides = array<i32>} : memref<96xf32, #tpu.memory_space<vmem>>, vector<16xf32>,
      %mul3A_386 = arith.constant 784 : i32
      %mul3A_387 = arith.muli %add3A_11, %mul3A_386 : i32
      %add3A_388 = vector.broadcast %mul3A_387 : i32 to vector<16xi32>
      %add3A_389 = arith.addi %masked_sort3A_300, %add3A_388 : vector<16xi32>
      %swap3A_390 = arith.constant 16 : index
      %swap3A_391 = tpu.vector_load %arg8[%swap3A_390] {strides = array<i32>} : memref<80xi32, #tpu.memory_space<vmem>>, vector<16xi32>,
      tpu.vector_store %arg8[%swap3A_390], %add3A_389 {strides = array<i32>} : memref<80xi32, #tpu.memory_space<vmem>>, vector<16xi32>,
      %mul3A_392 = arith.constant 128 : i32
      %mul3A_393 = vector.broadcast %mul3A_392 : i32 to vector<16xi32>
      %mul3A_394 = arith.muli %masked_sort3A_300, %mul3A_393 : vector<16xi32>
      %swap3A_395 = arith.constant 16 : index
      %swap3A_396 = tpu.vector_load %arg9[%swap3A_395] {strides = array<i32>} : memref<96xi32, #tpu.memory_space<vmem>>, vector<16xi32>,
      tpu.vector_store %arg9[%swap3A_395], %mul3A_394 {strides = array<i32>} : memref<96xi32, #tpu.memory_space<vmem>>, vector<16xi32>,
      %sub3A_397 = vector.broadcast %squeeze3A : f32 to vector<16xf32>
      %sub3A_398 = arith.subf %masked_sort3A_299, %sub3A_397 : vector<16xf32>
      %sub3A_399 = vector.broadcast %squeeze3A_15 : f32 to vector<16xf32>
      %sub3A_400 = arith.subf %sub3A_398, %sub3A_399 : vector<16xf32>
      %swap3A_401 = arith.constant 16 : index
      %swap3A_402 = tpu.vector_load %arg10[%swap3A_401] {strides = array<i32>} : memref<96xf32, #tpu.memory_space<vmem>>, vector<16xf32>,
      tpu.vector_store %arg10[%swap3A_401], %sub3A_400 {strides = array<i32>} : memref<96xf32, #tpu.memory_space<vmem>>, vector<16xf32>,
      %mul3A_403 = arith.constant 784 : i32
      %mul3A_404 = arith.muli %add3A_11, %mul3A_403 : i32
      %add3A_405 = vector.broadcast %mul3A_404 : i32 to vector<16xi32>
      %add3A_406 = arith.addi %masked_sort3A_331, %add3A_405 : vector<16xi32>
      %swap3A_407 = arith.constant 32 : index
      %swap3A_408 = tpu.vector_load %arg8[%swap3A_407] {strides = array<i32>} : memref<80xi32, #tpu.memory_space<vmem>>, vector<16xi32>,
      tpu.vector_store %arg8[%swap3A_407], %add3A_406 {strides = array<i32>} : memref<80xi32, #tpu.memory_space<vmem>>, vector<16xi32>,
      %mul3A_409 = arith.constant 128 : i32
      %mul3A_410 = vector.broadcast %mul3A_409 : i32 to vector<16xi32>
      %mul3A_411 = arith.muli %masked_sort3A_331, %mul3A_410 : vector<16xi32>
      %swap3A_412 = arith.constant 32 : index
      %swap3A_413 = tpu.vector_load %arg9[%swap3A_412] {strides = array<i32>} : memref<96xi32, #tpu.memory_space<vmem>>, vector<16xi32>,
      tpu.vector_store %arg9[%swap3A_412], %mul3A_411 {strides = array<i32>} : memref<96xi32, #tpu.memory_space<vmem>>, vector<16xi32>,
      %sub3A_414 = vector.broadcast %squeeze3A : f32 to vector<16xf32>
      %sub3A_415 = arith.subf %masked_sort3A_330, %sub3A_414 : vector<16xf32>
      %sub3A_416 = vector.broadcast %squeeze3A_15 : f32 to vector<16xf32>
      %sub3A_417 = arith.subf %sub3A_415, %sub3A_416 : vector<16xf32>
      %swap3A_418 = arith.constant 32 : index
      %swap3A_419 = tpu.vector_load %arg10[%swap3A_418] {strides = array<i32>} : memref<96xf32, #tpu.memory_space<vmem>>, vector<16xf32>,
      tpu.vector_store %arg10[%swap3A_418], %sub3A_417 {strides = array<i32>} : memref<96xf32, #tpu.memory_space<vmem>>, vector<16xf32>,
      %mul3A_420 = arith.constant 784 : i32
      %mul3A_421 = arith.muli %add3A_11, %mul3A_420 : i32
      %add3A_422 = vector.broadcast %mul3A_421 : i32 to vector<16xi32>
      %add3A_423 = arith.addi %masked_sort3A_362, %add3A_422 : vector<16xi32>
      %swap3A_424 = arith.constant 48 : index
      %swap3A_425 = tpu.vector_load %arg8[%swap3A_424] {strides = array<i32>} : memref<80xi32, #tpu.memory_space<vmem>>, vector<16xi32>,
      tpu.vector_store %arg8[%swap3A_424], %add3A_423 {strides = array<i32>} : memref<80xi32, #tpu.memory_space<vmem>>, vector<16xi32>,
      %mul3A_426 = arith.constant 128 : i32
      %mul3A_427 = vector.broadcast %mul3A_426 : i32 to vector<16xi32>
      %mul3A_428 = arith.muli %masked_sort3A_362, %mul3A_427 : vector<16xi32>
      %swap3A_429 = arith.constant 48 : index
      %swap3A_430 = tpu.vector_load %arg9[%swap3A_429] {strides = array<i32>} : memref<96xi32, #tpu.memory_space<vmem>>, vector<16xi32>,
      tpu.vector_store %arg9[%swap3A_429], %mul3A_428 {strides = array<i32>} : memref<96xi32, #tpu.memory_space<vmem>>, vector<16xi32>,
      %sub3A_431 = vector.broadcast %squeeze3A : f32 to vector<16xf32>
      %sub3A_432 = arith.subf %masked_sort3A_361, %sub3A_431 : vector<16xf32>
      %sub3A_433 = vector.broadcast %squeeze3A_15 : f32 to vector<16xf32>
      %sub3A_434 = arith.subf %sub3A_432, %sub3A_433 : vector<16xf32>
      %swap3A_435 = arith.constant 48 : index
      %swap3A_436 = tpu.vector_load %arg10[%swap3A_435] {strides = array<i32>} : memref<96xf32, #tpu.memory_space<vmem>>, vector<16xf32>,
      tpu.vector_store %arg10[%swap3A_435], %sub3A_434 {strides = array<i32>} : memref<96xf32, #tpu.memory_space<vmem>>, vector<16xf32>,
      %mul3A_437 = arith.constant 784 : i32
      %mul3A_438 = arith.muli %add3A_11, %mul3A_437 : i32
      %add3A_439 = vector.broadcast %mul3A_438 : i32 to vector<16xi32>
      %add3A_440 = arith.addi %masked_sort3A_370, %add3A_439 : vector<16xi32>
      %swap3A_441 = arith.constant 64 : index
      %swap3A_442 = tpu.vector_load %arg8[%swap3A_441] {strides = array<i32>} : memref<80xi32, #tpu.memory_space<vmem>>, vector<16xi32>,
      tpu.vector_store %arg8[%swap3A_441], %add3A_440 {strides = array<i32>} : memref<80xi32, #tpu.memory_space<vmem>>, vector<16xi32>,
      %mul3A_443 = arith.constant 128 : i32
      %mul3A_444 = vector.broadcast %mul3A_443 : i32 to vector<16xi32>
      %mul3A_445 = arith.muli %masked_sort3A_370, %mul3A_444 : vector<16xi32>
      %swap3A_446 = arith.constant 64 : index
      %swap3A_447 = tpu.vector_load %arg9[%swap3A_446] {strides = array<i32>} : memref<96xi32, #tpu.memory_space<vmem>>, vector<16xi32>,
      tpu.vector_store %arg9[%swap3A_446], %mul3A_445 {strides = array<i32>} : memref<96xi32, #tpu.memory_space<vmem>>, vector<16xi32>,
      %sub3A_448 = vector.broadcast %squeeze3A : f32 to vector<16xf32>
      %sub3A_449 = arith.subf %masked_sort3A_369, %sub3A_448 : vector<16xf32>
      %sub3A_450 = vector.broadcast %squeeze3A_15 : f32 to vector<16xf32>
      %sub3A_451 = arith.subf %sub3A_449, %sub3A_450 : vector<16xf32>
      %swap3A_452 = arith.constant 64 : index
      %swap3A_453 = tpu.vector_load %arg10[%swap3A_452] {strides = array<i32>} : memref<96xf32, #tpu.memory_space<vmem>>, vector<16xf32>,
      tpu.vector_store %arg10[%swap3A_452], %sub3A_451 {strides = array<i32>} : memref<96xf32, #tpu.memory_space<vmem>>, vector<16xf32>,
      %dma_start3A = arith.constant 0 : i32
      %dma_start3A_454 = arith.constant 0 : i32
      %dma_start3A_455 = tpu.memref_slice %arg2[%dma_start3A, %dma_start3A_454] : memref<802816x128xf32, #tpu.memory_space<hbm>> -> memref<802816x128xf32, #tpu.memory_space<hbm>>
      tpu.enqueue_indirect_dma source(%dma_start3A_455 : memref<802816x128xf32, #tpu.memory_space<hbm>>) target(%arg11 : memref<80x128xf32, #tpu.memory_space<vmem>>) offsets(%arg8 : memref<80xi32, #tpu.memory_space<vmem>>) semaphore(%arg19 : memref<!tpu.dma_semaphore, #tpu.memory_space<semaphore_mem>>)
      %dma_wait3A = arith.constant 0 : i32
      %dma_wait3A_456 = arith.constant 0 : i32
      %dma_wait3A_457 = tpu.memref_slice %arg2[%dma_wait3A, %dma_wait3A_456] : memref<802816x128xf32, #tpu.memory_space<hbm>> -> memref<802816x128xf32, #tpu.memory_space<hbm>>
      tpu.wait_indirect_dma semaphore(%arg19 : memref<!tpu.dma_semaphore, #tpu.memory_space<semaphore_mem>>) src(%dma_wait3A_457 : memref<802816x128xf32, #tpu.memory_space<hbm>>) dst(%arg11 : memref<80x128xf32, #tpu.memory_space<vmem>>)
      %scan3A_458 = arith.constant 0 : i32
      %scan3A_459 = arith.constant 80 : i32
      %scan3A_460 = arith.addi %scan3A_458, %scan3A_459 : i32
      %scan3A_461 = arith.constant 1 : i32
      %scan3A_462:4 = scf.for %scan3A_565 = %scan3A_458 to %scan3A_460 step %scan3A_461 iter_args(%scan3A_566 = %broadcast_in_dim3A_16, %scan3A_567 = %broadcast_in_dim3A_16, %scan3A_568 = %broadcast_in_dim3A_16, %scan3A_569 = %broadcast_in_dim3A_16) -> (vector<16xf32>, vector<16xf32>, vector<16xf32>, vector<16xf32>)  : i32 {
        %get3A_570 = arith.index_cast %scan3A_565 : i32 to index
        %get3A_571 = tpu.vector_load %arg9[%get3A_570] {strides = array<i32>} : memref<96xi32, #tpu.memory_space<vmem>>, vector<16xi32>,
        %slice3A_572 = vector.extract_strided_slice %get3A_571 {offsets = [0], sizes = [1], strides = [1]} : vector<16xi32> to vector<1xi32>
        %squeeze3A_573 = vector.extract %slice3A_572[0] : i32 from vector<1xi32>
        %get3A_574 = arith.index_cast %scan3A_565 : i32 to index
        %get3A_575 = tpu.vector_load %arg10[%get3A_574] {strides = array<i32>} : memref<96xf32, #tpu.memory_space<vmem>>, vector<16xf32>,
        %slice3A_576 = vector.extract_strided_slice %get3A_575 {offsets = [0], sizes = [1], strides = [1]} : vector<16xf32> to vector<1xf32>
        %squeeze3A_577 = vector.extract %slice3A_576[0] : f32 from vector<1xf32>
        %slice3A_578 = vector.extract_strided_slice %scan3A_566 {offsets = [0], sizes = [1], strides = [1]} : vector<16xf32> to vector<1xf32>
        %squeeze3A_579 = vector.extract %slice3A_578[0] : f32 from vector<1xf32>
        %gt3A_580 = arith.cmpf ogt, %squeeze3A_577, %squeeze3A_579 : f32
        %convert_element_type3A = arith.extui %gt3A_580 : i1 to i32
        %cond3A = arith.constant 0 : i32
        %cond3A_581 = arith.cmpi ne, %convert_element_type3A, %cond3A : i32
        %cond3A_582:4 = scf.if %cond3A_581 -> (vector<16xf32>, vector<16xf32>, vector<16xf32>, vector<16xf32>) {
          %scan3A_583 = arith.constant 0 : i32
          %scan3A_584 = arith.constant 8 : i32
          %scan3A_585 = arith.addi %scan3A_583, %scan3A_584 : i32
          %scan3A_586 = arith.constant 1 : i32
          %scan3A_587:4 = scf.for %scan3A_589 = %scan3A_583 to %scan3A_585 step %scan3A_586 iter_args(%scan3A_590 = %scan3A_566, %scan3A_591 = %scan3A_567, %scan3A_592 = %scan3A_568, %scan3A_593 = %scan3A_569) -> (vector<16xf32>, vector<16xf32>, vector<16xf32>, vector<16xf32>)  : i32 {
            %mul3A_594 = arith.constant 16 : i32
            %mul3A_595 = arith.muli %scan3A_589, %mul3A_594 : i32
            %get3A_596 = arith.index_cast %scan3A_565 : i32 to index
            %get3A_597 = arith.index_cast %mul3A_595 : i32 to index
            %get3A_598 = tpu.vector_load %arg11[%get3A_596, %get3A_597] {strides = array<i32>} : memref<80x128xf32, #tpu.memory_space<vmem>>, vector<16xf32>,
            %mul3A_599 = arith.constant 16 : i32
            %mul3A_600 = arith.muli %scan3A_589, %mul3A_599 : i32
            %add3A_601 = arith.addi %squeeze3A_573, %mul3A_600 : i32
            %add3A_602 = vector.broadcast %add3A_601 : i32 to vector<16xi32>
            %add3A_603 = arith.addi %add3A_602, %iota3A : vector<16xi32>
            %sub3A_604 = vector.broadcast %squeeze3A : f32 to vector<16xf32>
            %sub3A_605 = arith.subf %get3A_598, %sub3A_604 : vector<16xf32>
            %sub3A_606 = vector.broadcast %squeeze3A_15 : f32 to vector<16xf32>
            %sub3A_607 = arith.subf %sub3A_605, %sub3A_606 : vector<16xf32>
            %lt3A_608 = arith.constant 100000 : i32
            %lt3A_609 = vector.broadcast %lt3A_608 : i32 to vector<16xi32>
            %lt3A_610 = arith.cmpi slt, %add3A_603, %lt3A_609 : vector<16xi32>
            %jit3A_611 = arith.constant -3.000000e+38 : f32
            %broadcast_in_dim3A_612 = vector.broadcast %jit3A_611 : f32 to vector<16xf32>
            %select_n3A_613 = arith.select %lt3A_610, %sub3A_607, %broadcast_in_dim3A_612 : vector<16xi1>, vector<16xf32>
            %slice3A_614 = vector.extract_strided_slice %scan3A_590 {offsets = [0], sizes = [1], strides = [1]} : vector<16xf32> to vector<1xf32>
            %squeeze3A_615 = vector.extract %slice3A_614[0] : f32 from vector<1xf32>
            %gt3A_616 = vector.broadcast %squeeze3A_615 : f32 to vector<16xf32>
            %gt3A_617 = arith.cmpf ogt, %select_n3A_613, %gt3A_616 : vector<16xf32>
            %all_reduce_population_count3A = tpu.all_reduce %gt3A_617 {dim = 0 : i64, kind = #tpu.reduction_kind<sum>} : vector<16xi1> -> vector<16xi32>
            %slice3A_618 = vector.extract_strided_slice %all_reduce_population_count3A {offsets = [0], sizes = [1], strides = [1]} : vector<16xi32> to vector<1xi32>
            %squeeze3A_619 = vector.extract %slice3A_618[0] : i32 from vector<1xi32>
            %gt3A_620 = arith.constant 0 : i32
            %gt3A_621 = arith.cmpi sgt, %squeeze3A_619, %gt3A_620 : i32
            %convert_element_type3A_622 = arith.extui %gt3A_621 : i1 to i32
            %cond3A_623 = arith.constant 0 : i32
            %cond3A_624 = arith.cmpi ne, %convert_element_type3A_622, %cond3A_623 : i32
            %cond3A_625:4 = scf.if %cond3A_624 -> (vector<16xf32>, vector<16xf32>, vector<16xf32>, vector<16xf32>) {
              %sort3A = arith.constant dense<true> : vector<16xi1>
              %sort3A_626, %sort3A_627, %sort3A_628 = tpu.sort %select_n3A_613, %select_n3A_613 masked %sort3A : (vector<16xf32>, vector<16xf32>, vector<16xi1>) -> (vector<16xi1>, vector<16xf32>, vector<16xf32>)
              %rev3A_629 = arith.constant 15 : i32
              %rev3A_630 = vector.broadcast %rev3A_629 : i32 to vector<16xi32>
              %rev3A_631 = tpu.iota {dimensions = array<i32: 0>} : vector<16xi32>
              %rev3A_632 = arith.subi %rev3A_630, %rev3A_631 : vector<16xi32>
              %rev3A_633 = tpu.dynamic_gather %sort3A_627[%rev3A_632] in [0] : vector<16xf32>, vector<16xi32> -> vector<16xf32>
              %max3A = arith.maximumf %scan3A_590, %rev3A_633 : vector<16xf32>
              %min3A = arith.minimumf %scan3A_590, %rev3A_633 : vector<16xf32>
              %sort3A_634 = arith.constant dense<true> : vector<16xi1>
              %sort3A_635, %sort3A_636, %sort3A_637 = tpu.sort %min3A, %min3A masked %sort3A_634 : (vector<16xf32>, vector<16xf32>, vector<16xi1>) -> (vector<16xi1>, vector<16xf32>, vector<16xf32>)
              %sort3A_638 = arith.constant dense<true> : vector<16xi1>
              %sort3A_639, %sort3A_640, %sort3A_641 = tpu.sort %max3A, %max3A masked %sort3A_638 : (vector<16xf32>, vector<16xf32>, vector<16xi1>) -> (vector<16xi1>, vector<16xf32>, vector<16xf32>)
              %rev3A_642 = arith.constant 15 : i32
              %rev3A_643 = vector.broadcast %rev3A_642 : i32 to vector<16xi32>
              %rev3A_644 = tpu.iota {dimensions = array<i32: 0>} : vector<16xi32>
              %rev3A_645 = arith.subi %rev3A_643, %rev3A_644 : vector<16xi32>
              %rev3A_646 = tpu.dynamic_gather %scan3A_591[%rev3A_645] in [0] : vector<16xf32>, vector<16xi32> -> vector<16xf32>
              %max3A_647 = arith.maximumf %sort3A_640, %rev3A_646 : vector<16xf32>
              %min3A_648 = arith.minimumf %sort3A_640, %rev3A_646 : vector<16xf32>
              %sort3A_649 = arith.constant dense<true> : vector<16xi1>
              %sort3A_650, %sort3A_651, %sort3A_652 = tpu.sort %min3A_648, %min3A_648 masked %sort3A_649 : (vector<16xf32>, vector<16xf32>, vector<16xi1>) -> (vector<16xi1>, vector<16xf32>, vector<16xf32>)
              %sort3A_653 = arith.constant dense<true> : vector<16xi1>
              %sort3A_654, %sort3A_655, %sort3A_656 = tpu.sort %max3A_647, %max3A_647 masked %sort3A_653 : (vector<16xf32>, vector<16xf32>, vector<16xi1>) -> (vector<16xi1>, vector<16xf32>, vector<16xf32>)
              %rev3A_657 = arith.constant 15 : i32
              %rev3A_658 = vector.broadcast %rev3A_657 : i32 to vector<16xi32>
              %rev3A_659 = tpu.iota {dimensions = array<i32: 0>} : vector<16xi32>
              %rev3A_660 = arith.subi %rev3A_658, %rev3A_659 : vector<16xi32>
              %rev3A_661 = tpu.dynamic_gather %scan3A_592[%rev3A_660] in [0] : vector<16xf32>, vector<16xi32> -> vector<16xf32>
              %max3A_662 = arith.maximumf %sort3A_655, %rev3A_661 : vector<16xf32>
              %min3A_663 = arith.minimumf %sort3A_655, %rev3A_661 : vector<16xf32>
              %sort3A_664 = arith.constant dense<true> : vector<16xi1>
              %sort3A_665, %sort3A_666, %sort3A_667 = tpu.sort %min3A_663, %min3A_663 masked %sort3A_664 : (vector<16xf32>, vector<16xf32>, vector<16xi1>) -> (vector<16xi1>, vector<16xf32>, vector<16xf32>)
              %sort3A_668 = arith.constant dense<true> : vector<16xi1>
              %sort3A_669, %sort3A_670, %sort3A_671 = tpu.sort %max3A_662, %max3A_662 masked %sort3A_668 : (vector<16xf32>, vector<16xf32>, vector<16xi1>) -> (vector<16xi1>, vector<16xf32>, vector<16xf32>)
              %rev3A_672 = arith.constant 15 : i32
              %rev3A_673 = vector.broadcast %rev3A_672 : i32 to vector<16xi32>
              %rev3A_674 = tpu.iota {dimensions = array<i32: 0>} : vector<16xi32>
              %rev3A_675 = arith.subi %rev3A_673, %rev3A_674 : vector<16xi32>
              %rev3A_676 = tpu.dynamic_gather %scan3A_593[%rev3A_675] in [0] : vector<16xf32>, vector<16xi32> -> vector<16xf32>
              %max3A_677 = arith.maximumf %sort3A_670, %rev3A_676 : vector<16xf32>
              %min3A_678 = arith.minimumf %sort3A_670, %rev3A_676 : vector<16xf32>
              %sort3A_679 = arith.constant dense<true> : vector<16xi1>
              %sort3A_680, %sort3A_681, %sort3A_682 = tpu.sort %min3A_678, %min3A_678 masked %sort3A_679 : (vector<16xf32>, vector<16xf32>, vector<16xi1>) -> (vector<16xi1>, vector<16xf32>, vector<16xf32>)
              %sort3A_683 = arith.constant dense<true> : vector<16xi1>
              %sort3A_684, %sort3A_685, %sort3A_686 = tpu.sort %max3A_677, %max3A_677 masked %sort3A_683 : (vector<16xf32>, vector<16xf32>, vector<16xi1>) -> (vector<16xi1>, vector<16xf32>, vector<16xf32>)
              scf.yield %sort3A_651, %sort3A_666, %sort3A_681, %sort3A_685 : vector<16xf32>, vector<16xf32>, vector<16xf32>, vector<16xf32>
            } else {
              scf.yield %scan3A_590, %scan3A_591, %scan3A_592, %scan3A_593 : vector<16xf32>, vector<16xf32>, vector<16xf32>, vector<16xf32>
            }
            scf.yield %cond3A_625#0, %cond3A_625#1, %cond3A_625#2, %cond3A_625#3 : vector<16xf32>, vector<16xf32>, vector<16xf32>, vector<16xf32>
          }
          %scan3A_588 = arith.constant 8 : i32
          scf.yield %scan3A_587#0, %scan3A_587#1, %scan3A_587#2, %scan3A_587#3 : vector<16xf32>, vector<16xf32>, vector<16xf32>, vector<16xf32>
        } else {
          scf.yield %scan3A_566, %scan3A_567, %scan3A_568, %scan3A_569 : vector<16xf32>, vector<16xf32>, vector<16xf32>, vector<16xf32>
        }
        scf.yield %cond3A_582#0, %cond3A_582#1, %cond3A_582#2, %cond3A_582#3 : vector<16xf32>, vector<16xf32>, vector<16xf32>, vector<16xf32>
      }
      %scan3A_463 = arith.constant 80 : i32
      %slice3A_464 = vector.extract_strided_slice %scan3A_462#0 {offsets = [0], sizes = [1], strides = [1]} : vector<16xf32> to vector<1xf32>
      %squeeze3A_465 = vector.extract %slice3A_464[0] : f32 from vector<1xf32>
      %scan3A_466 = arith.constant 0 : i32
      %scan3A_467 = arith.constant 0 : i32
      %scan3A_468 = arith.constant 0 : i32
      %scan3A_469 = arith.constant 80 : i32
      %scan3A_470 = arith.addi %scan3A_468, %scan3A_469 : i32
      %scan3A_471 = arith.constant 1 : i32
      %scan3A_472:2 = scf.for %scan3A_565 = %scan3A_468 to %scan3A_470 step %scan3A_471 iter_args(%scan3A_566 = %scan3A_466, %scan3A_567 = %scan3A_467) -> (i32, i32)  : i32 {
        %get3A_568 = arith.index_cast %scan3A_565 : i32 to index
        %get3A_569 = tpu.vector_load %arg9[%get3A_568] {strides = array<i32>} : memref<96xi32, #tpu.memory_space<vmem>>, vector<16xi32>,
        %slice3A_570 = vector.extract_strided_slice %get3A_569 {offsets = [0], sizes = [1], strides = [1]} : vector<16xi32> to vector<1xi32>
        %squeeze3A_571 = vector.extract %slice3A_570[0] : i32 from vector<1xi32>
        %get3A_572 = arith.index_cast %scan3A_565 : i32 to index
        %get3A_573 = tpu.vector_load %arg10[%get3A_572] {strides = array<i32>} : memref<96xf32, #tpu.memory_space<vmem>>, vector<16xf32>,
        %slice3A_574 = vector.extract_strided_slice %get3A_573 {offsets = [0], sizes = [1], strides = [1]} : vector<16xf32> to vector<1xf32>
        %squeeze3A_575 = vector.extract %slice3A_574[0] : f32 from vector<1xf32>
        %ge3A = arith.cmpf oge, %squeeze3A_575, %squeeze3A_465 : f32
        %convert_element_type3A = arith.extui %ge3A : i1 to i32
        %cond3A = arith.constant 0 : i32
        %cond3A_576 = arith.cmpi ne, %convert_element_type3A, %cond3A : i32
        %cond3A_577:2 = scf.if %cond3A_576 -> (i32, i32) {
          %scan3A_578 = arith.constant 0 : i32
          %scan3A_579 = arith.constant 8 : i32
          %scan3A_580 = arith.addi %scan3A_578, %scan3A_579 : i32
          %scan3A_581 = arith.constant 1 : i32
          %scan3A_582:2 = scf.for %scan3A_584 = %scan3A_578 to %scan3A_580 step %scan3A_581 iter_args(%scan3A_585 = %scan3A_566, %scan3A_586 = %scan3A_567) -> (i32, i32)  : i32 {
            %mul3A_587 = arith.constant 16 : i32
            %mul3A_588 = arith.muli %scan3A_584, %mul3A_587 : i32
            %get3A_589 = arith.index_cast %scan3A_565 : i32 to index
            %get3A_590 = arith.index_cast %mul3A_588 : i32 to index
            %get3A_591 = tpu.vector_load %arg11[%get3A_589, %get3A_590] {strides = array<i32>} : memref<80x128xf32, #tpu.memory_space<vmem>>, vector<16xf32>,
            %mul3A_592 = arith.constant 16 : i32
            %mul3A_593 = arith.muli %scan3A_584, %mul3A_592 : i32
            %add3A_594 = arith.addi %squeeze3A_571, %mul3A_593 : i32
            %add3A_595 = vector.broadcast %add3A_594 : i32 to vector<16xi32>
            %add3A_596 = arith.addi %add3A_595, %iota3A : vector<16xi32>
            %sub3A_597 = vector.broadcast %squeeze3A : f32 to vector<16xf32>
            %sub3A_598 = arith.subf %get3A_591, %sub3A_597 : vector<16xf32>
            %sub3A_599 = vector.broadcast %squeeze3A_15 : f32 to vector<16xf32>
            %sub3A_600 = arith.subf %sub3A_598, %sub3A_599 : vector<16xf32>
            %lt3A_601 = arith.constant 100000 : i32
            %lt3A_602 = vector.broadcast %lt3A_601 : i32 to vector<16xi32>
            %lt3A_603 = arith.cmpi slt, %add3A_596, %lt3A_602 : vector<16xi32>
            %jit3A_604 = arith.constant -3.000000e+38 : f32
            %broadcast_in_dim3A_605 = vector.broadcast %jit3A_604 : f32 to vector<16xf32>
            %select_n3A_606 = arith.select %lt3A_603, %sub3A_600, %broadcast_in_dim3A_605 : vector<16xi1>, vector<16xf32>
            %gt3A_607 = vector.broadcast %squeeze3A_465 : f32 to vector<16xf32>
            %gt3A_608 = arith.cmpf ogt, %select_n3A_606, %gt3A_607 : vector<16xf32>
            %eq3A = vector.broadcast %squeeze3A_465 : f32 to vector<16xf32>
            %eq3A_609 = arith.cmpf oeq, %select_n3A_606, %eq3A : vector<16xf32>
            %all_reduce_population_count3A = tpu.all_reduce %gt3A_608 {dim = 0 : i64, kind = #tpu.reduction_kind<sum>} : vector<16xi1> -> vector<16xi32>
            %slice3A_610 = vector.extract_strided_slice %all_reduce_population_count3A {offsets = [0], sizes = [1], strides = [1]} : vector<16xi32> to vector<1xi32>
            %squeeze3A_611 = vector.extract %slice3A_610[0] : i32 from vector<1xi32>
            %all_reduce_population_count3A_612 = tpu.all_reduce %eq3A_609 {dim = 0 : i64, kind = #tpu.reduction_kind<sum>} : vector<16xi1> -> vector<16xi32>
            %slice3A_613 = vector.extract_strided_slice %all_reduce_population_count3A_612 {offsets = [0], sizes = [1], strides = [1]} : vector<16xi32> to vector<1xi32>
            %squeeze3A_614 = vector.extract %slice3A_613[0] : i32 from vector<1xi32>
            %gt3A_615 = arith.constant 0 : i32
            %gt3A_616 = arith.cmpi sgt, %squeeze3A_611, %gt3A_615 : i32
            %convert_element_type3A_617 = arith.extui %gt3A_616 : i1 to i32
            %cond3A_618 = arith.constant 0 : i32
            %cond3A_619 = arith.cmpi ne, %convert_element_type3A_617, %cond3A_618 : i32
            %cond3A_620 = scf.if %cond3A_619 -> (i32) {
              %swap3A_628 = arith.index_cast %scan3A_585 : i32 to index
              %swap3A_629 = tpu.vector_load %arg13[%swap3A_628] masked %gt3A_608 {strides = array<i32>} : memref<80xf32, #tpu.memory_space<vmem>>, vector<16xf32>, vector<16xi1>
              tpu.vector_store %arg13[%swap3A_628], %select_n3A_606 masked %gt3A_608 {strides = array<i32>} : memref<80xf32, #tpu.memory_space<vmem>>, vector<16xf32>, vector<16xi1>
              %swap3A_630 = arith.index_cast %scan3A_585 : i32 to index
              %swap3A_631 = tpu.vector_load %arg14[%swap3A_630] masked %gt3A_608 {strides = array<i32>} : memref<80xi32, #tpu.memory_space<vmem>>, vector<16xi32>, vector<16xi1>
              tpu.vector_store %arg14[%swap3A_630], %add3A_596 masked %gt3A_608 {strides = array<i32>} : memref<80xi32, #tpu.memory_space<vmem>>, vector<16xi32>, vector<16xi1>
              %add3A_632 = arith.addi %scan3A_585, %squeeze3A_611 : i32
              scf.yield %add3A_632 : i32
            } else {
              scf.yield %scan3A_585 : i32
            }
            %gt3A_621 = arith.constant 0 : i32
            %gt3A_622 = arith.cmpi sgt, %squeeze3A_614, %gt3A_621 : i32
            %le3A = arith.constant 128 : i32
            %le3A_623 = arith.cmpi sle, %scan3A_586, %le3A : i32
            %and3A = arith.andi %gt3A_622, %le3A_623 : i1
            %convert_element_type3A_624 = arith.extui %and3A : i1 to i32
            %cond3A_625 = arith.constant 0 : i32
            %cond3A_626 = arith.cmpi ne, %convert_element_type3A_624, %cond3A_625 : i32
            %cond3A_627 = scf.if %cond3A_626 -> (i32) {
              %swap3A_628 = arith.index_cast %scan3A_586 : i32 to index
              %swap3A_629 = tpu.vector_load %arg15[%swap3A_628] masked %eq3A_609 {strides = array<i32>} : memref<160xf32, #tpu.memory_space<vmem>>, vector<16xf32>, vector<16xi1>
              tpu.vector_store %arg15[%swap3A_628], %select_n3A_606 masked %eq3A_609 {strides = array<i32>} : memref<160xf32, #tpu.memory_space<vmem>>, vector<16xf32>, vector<16xi1>
              %swap3A_630 = arith.index_cast %scan3A_586 : i32 to index
              %swap3A_631 = tpu.vector_load %arg16[%swap3A_630] masked %eq3A_609 {strides = array<i32>} : memref<160xi32, #tpu.memory_space<vmem>>, vector<16xi32>, vector<16xi1>
              tpu.vector_store %arg16[%swap3A_630], %add3A_596 masked %eq3A_609 {strides = array<i32>} : memref<160xi32, #tpu.memory_space<vmem>>, vector<16xi32>, vector<16xi1>
              %add3A_632 = arith.addi %scan3A_586, %squeeze3A_614 : i32
              scf.yield %add3A_632 : i32
            } else {
              scf.yield %scan3A_586 : i32
            }
            scf.yield %cond3A_620, %cond3A_627 : i32, i32
          }
          %scan3A_583 = arith.constant 8 : i32
          scf.yield %scan3A_582#0, %scan3A_582#1 : i32, i32
        } else {
          scf.yield %scan3A_566, %scan3A_567 : i32, i32
        }
        scf.yield %cond3A_577#0, %cond3A_577#1 : i32, i32
      }
      %scan3A_473 = arith.constant 80 : i32
      %get3A_474 = arith.constant 0 : index
      %get3A_475 = tpu.vector_load %arg13[%get3A_474] {strides = array<i32>} : memref<80xf32, #tpu.memory_space<vmem>>, vector<16xf32>,
      %get3A_476 = arith.constant 16 : index
      %get3A_477 = tpu.vector_load %arg13[%get3A_476] {strides = array<i32>} : memref<80xf32, #tpu.memory_space<vmem>>, vector<16xf32>,
      %get3A_478 = arith.constant 32 : index
      %get3A_479 = tpu.vector_load %arg13[%get3A_478] {strides = array<i32>} : memref<80xf32, #tpu.memory_space<vmem>>, vector<16xf32>,
      %get3A_480 = arith.constant 48 : index
      %get3A_481 = tpu.vector_load %arg13[%get3A_480] {strides = array<i32>} : memref<80xf32, #tpu.memory_space<vmem>>, vector<16xf32>,
      %get3A_482 = arith.constant 64 : index
      %get3A_483 = tpu.vector_load %arg13[%get3A_482] {strides = array<i32>} : memref<80xf32, #tpu.memory_space<vmem>>, vector<16xf32>,
      %get3A_484 = arith.constant 0 : index
      %get3A_485 = tpu.vector_load %arg14[%get3A_484] {strides = array<i32>} : memref<80xi32, #tpu.memory_space<vmem>>, vector<16xi32>,
      %get3A_486 = arith.constant 16 : index
      %get3A_487 = tpu.vector_load %arg14[%get3A_486] {strides = array<i32>} : memref<80xi32, #tpu.memory_space<vmem>>, vector<16xi32>,
      %get3A_488 = arith.constant 32 : index
      %get3A_489 = tpu.vector_load %arg14[%get3A_488] {strides = array<i32>} : memref<80xi32, #tpu.memory_space<vmem>>, vector<16xi32>,
      %get3A_490 = arith.constant 48 : index
      %get3A_491 = tpu.vector_load %arg14[%get3A_490] {strides = array<i32>} : memref<80xi32, #tpu.memory_space<vmem>>, vector<16xi32>,
      %get3A_492 = arith.constant 64 : index
      %get3A_493 = tpu.vector_load %arg14[%get3A_492] {strides = array<i32>} : memref<80xi32, #tpu.memory_space<vmem>>, vector<16xi32>,
      %add3A_494 = arith.constant 0 : i32
      %add3A_495 = vector.broadcast %add3A_494 : i32 to vector<16xi32>
      %add3A_496 = arith.addi %add3A_495, %iota3A : vector<16xi32>
      %lt3A = vector.broadcast %scan3A_472#0 : i32 to vector<16xi32>
      %lt3A_497 = arith.cmpi slt, %add3A_496, %lt3A : vector<16xi32>
      %jit3A = arith.constant -3.000000e+38 : f32
      %broadcast_in_dim3A_498 = vector.broadcast %jit3A : f32 to vector<16xf32>
      %select_n3A_499 = arith.select %lt3A_497, %get3A_475, %broadcast_in_dim3A_498 : vector<16xi1>, vector<16xf32>
      %add3A_500 = arith.constant 16 : i32
      %add3A_501 = vector.broadcast %add3A_500 : i32 to vector<16xi32>
      %add3A_502 = arith.addi %add3A_501, %iota3A : vector<16xi32>
      %lt3A_503 = vector.broadcast %scan3A_472#0 : i32 to vector<16xi32>
      %lt3A_504 = arith.cmpi slt, %add3A_502, %lt3A_503 : vector<16xi32>
      %jit3A_505 = arith.constant -3.000000e+38 : f32
      %broadcast_in_dim3A_506 = vector.broadcast %jit3A_505 : f32 to vector<16xf32>
      %select_n3A_507 = arith.select %lt3A_504, %get3A_477, %broadcast_in_dim3A_506 : vector<16xi1>, vector<16xf32>
      %add3A_508 = arith.constant 32 : i32
      %add3A_509 = vector.broadcast %add3A_508 : i32 to vector<16xi32>
      %add3A_510 = arith.addi %add3A_509, %iota3A : vector<16xi32>
      %lt3A_511 = vector.broadcast %scan3A_472#0 : i32 to vector<16xi32>
      %lt3A_512 = arith.cmpi slt, %add3A_510, %lt3A_511 : vector<16xi32>
      %jit3A_513 = arith.constant -3.000000e+38 : f32
      %broadcast_in_dim3A_514 = vector.broadcast %jit3A_513 : f32 to vector<16xf32>
      %select_n3A_515 = arith.select %lt3A_512, %get3A_479, %broadcast_in_dim3A_514 : vector<16xi1>, vector<16xf32>
      %add3A_516 = arith.constant 48 : i32
      %add3A_517 = vector.broadcast %add3A_516 : i32 to vector<16xi32>
      %add3A_518 = arith.addi %add3A_517, %iota3A : vector<16xi32>
      %lt3A_519 = vector.broadcast %scan3A_472#0 : i32 to vector<16xi32>
      %lt3A_520 = arith.cmpi slt, %add3A_518, %lt3A_519 : vector<16xi32>
      %jit3A_521 = arith.constant -3.000000e+38 : f32
      %broadcast_in_dim3A_522 = vector.broadcast %jit3A_521 : f32 to vector<16xf32>
      %select_n3A_523 = arith.select %lt3A_520, %get3A_481, %broadcast_in_dim3A_522 : vector<16xi1>, vector<16xf32>
      %add3A_524 = arith.constant 64 : i32
      %add3A_525 = vector.broadcast %add3A_524 : i32 to vector<16xi32>
      %add3A_526 = arith.addi %add3A_525, %iota3A : vector<16xi32>
      %lt3A_527 = vector.broadcast %scan3A_472#0 : i32 to vector<16xi32>
      %lt3A_528 = arith.cmpi slt, %add3A_526, %lt3A_527 : vector<16xi32>
      %jit3A_529 = arith.constant -3.000000e+38 : f32
      %broadcast_in_dim3A_530 = vector.broadcast %jit3A_529 : f32 to vector<16xf32>
      %select_n3A_531 = arith.select %lt3A_528, %get3A_483, %broadcast_in_dim3A_530 : vector<16xi1>, vector<16xf32>
      %broadcast_in_dim3A_532 = arith.constant 0.000000e+00 : f32
      %broadcast_in_dim3A_533 = vector.broadcast %broadcast_in_dim3A_532 : f32 to vector<16xf32>
      %scan3A_534 = arith.constant 0 : i32
      %scan3A_535 = arith.constant 64 : i32
      %scan3A_536 = arith.addi %scan3A_534, %scan3A_535 : i32
      %scan3A_537 = arith.constant 1 : i32
      %scan3A_538:13 = scf.for %scan3A_565 = %scan3A_534 to %scan3A_536 step %scan3A_537 iter_args(%scan3A_566 = %select_n3A_499, %scan3A_567 = %select_n3A_507, %scan3A_568 = %select_n3A_515, %scan3A_569 = %select_n3A_523, %scan3A_570 = %select_n3A_531, %scan3A_571 = %broadcast_in_dim3A_533, %scan3A_572 = %broadcast_in_dim3A_533, %scan3A_573 = %broadcast_in_dim3A_533, %scan3A_574 = %broadcast_in_dim3A_533, %scan3A_575 = %broadcast_in_dim3A_18, %scan3A_576 = %broadcast_in_dim3A_18, %scan3A_577 = %broadcast_in_dim3A_18, %scan3A_578 = %broadcast_in_dim3A_18) -> (vector<16xf32>, vector<16xf32>, vector<16xf32>, vector<16xf32>, vector<16xf32>, vector<16xf32>, vector<16xf32>, vector<16xf32>, vector<16xf32>, vector<16xi32>, vector<16xi32>, vector<16xi32>, vector<16xi32>)  : i32 {
        %lt3A_579 = arith.cmpi slt, %scan3A_565, %scan3A_472#0 : i32
        %convert_element_type3A = arith.extui %lt3A_579 : i1 to i32
        %cond3A = arith.constant 0 : i32
        %cond3A_580 = arith.constant 0 : i32
        %cond3A_581 = arith.cmpi ne, %convert_element_type3A, %cond3A_580 : i32
        %cond3A_582:7 = scf.if %cond3A_581 -> (f32, i32, vector<16xf32>, vector<16xf32>, vector<16xf32>, vector<16xf32>, vector<16xf32>) {
          %max3A = arith.maximumf %scan3A_566, %scan3A_567 : vector<16xf32>
          %max3A_777 = arith.maximumf %max3A, %scan3A_568 : vector<16xf32>
          %max3A_778 = arith.maximumf %max3A_777, %scan3A_569 : vector<16xf32>
          %max3A_779 = arith.maximumf %max3A_778, %scan3A_570 : vector<16xf32>
          %sort3A = arith.constant dense<true> : vector<16xi1>
          %sort3A_780, %sort3A_781, %sort3A_782 = tpu.sort %max3A_779, %max3A_779 masked %sort3A : (vector<16xf32>, vector<16xf32>, vector<16xi1>) -> (vector<16xi1>, vector<16xf32>, vector<16xf32>)
          %slice3A_783 = vector.extract_strided_slice %sort3A_781 {offsets = [15], sizes = [1], strides = [1]} : vector<16xf32> to vector<1xf32>
          %squeeze3A_784 = vector.extract %slice3A_783[0] : f32 from vector<1xf32>
          %eq3A_785 = vector.broadcast %squeeze3A_784 : f32 to vector<16xf32>
          %eq3A_786 = arith.cmpf oeq, %scan3A_566, %eq3A_785 : vector<16xf32>
          %jit3A_787 = arith.constant 2147483647 : i32
          %broadcast_in_dim3A_788 = vector.broadcast %jit3A_787 : i32 to vector<16xi32>
          %select_n3A_789 = arith.select %eq3A_786, %get3A_485, %broadcast_in_dim3A_788 : vector<16xi1>, vector<16xi32>
          %eq3A_790 = vector.broadcast %squeeze3A_784 : f32 to vector<16xf32>
          %eq3A_791 = arith.cmpf oeq, %scan3A_567, %eq3A_790 : vector<16xf32>
          %jit3A_792 = arith.constant 2147483647 : i32
          %broadcast_in_dim3A_793 = vector.broadcast %jit3A_792 : i32 to vector<16xi32>
          %select_n3A_794 = arith.select %eq3A_791, %get3A_487, %broadcast_in_dim3A_793 : vector<16xi1>, vector<16xi32>
          %min3A = arith.minsi %select_n3A_789, %select_n3A_794 : vector<16xi32>
          %eq3A_795 = vector.broadcast %squeeze3A_784 : f32 to vector<16xf32>
          %eq3A_796 = arith.cmpf oeq, %scan3A_568, %eq3A_795 : vector<16xf32>
          %jit3A_797 = arith.constant 2147483647 : i32
          %broadcast_in_dim3A_798 = vector.broadcast %jit3A_797 : i32 to vector<16xi32>
          %select_n3A_799 = arith.select %eq3A_796, %get3A_489, %broadcast_in_dim3A_798 : vector<16xi1>, vector<16xi32>
          %min3A_800 = arith.minsi %min3A, %select_n3A_799 : vector<16xi32>
          %eq3A_801 = vector.broadcast %squeeze3A_784 : f32 to vector<16xf32>
          %eq3A_802 = arith.cmpf oeq, %scan3A_569, %eq3A_801 : vector<16xf32>
          %jit3A_803 = arith.constant 2147483647 : i32
          %broadcast_in_dim3A_804 = vector.broadcast %jit3A_803 : i32 to vector<16xi32>
          %select_n3A_805 = arith.select %eq3A_802, %get3A_491, %broadcast_in_dim3A_804 : vector<16xi1>, vector<16xi32>
          %min3A_806 = arith.minsi %min3A_800, %select_n3A_805 : vector<16xi32>
          %eq3A_807 = vector.broadcast %squeeze3A_784 : f32 to vector<16xf32>
          %eq3A_808 = arith.cmpf oeq, %scan3A_570, %eq3A_807 : vector<16xf32>
          %jit3A_809 = arith.constant 2147483647 : i32
          %broadcast_in_dim3A_810 = vector.broadcast %jit3A_809 : i32 to vector<16xi32>
          %select_n3A_811 = arith.select %eq3A_808, %get3A_493, %broadcast_in_dim3A_810 : vector<16xi1>, vector<16xi32>
          %min3A_812 = arith.minsi %min3A_806, %select_n3A_811 : vector<16xi32>
          %sort3A_813 = arith.constant dense<true> : vector<16xi1>
          %sort3A_814, %sort3A_815, %sort3A_816 = tpu.sort %min3A_812, %min3A_812 masked %sort3A_813 : (vector<16xi32>, vector<16xi32>, vector<16xi1>) -> (vector<16xi1>, vector<16xi32>, vector<16xi32>)
          %slice3A_817 = vector.extract_strided_slice %sort3A_815 {offsets = [0], sizes = [1], strides = [1]} : vector<16xi32> to vector<1xi32>
          %squeeze3A_818 = vector.extract %slice3A_817[0] : i32 from vector<1xi32>
          %eq3A_819 = vector.broadcast %squeeze3A_784 : f32 to vector<16xf32>
          %eq3A_820 = arith.cmpf oeq, %scan3A_566, %eq3A_819 : vector<16xf32>
          %eq3A_821 = vector.broadcast %squeeze3A_818 : i32 to vector<16xi32>
          %eq3A_822 = arith.cmpi eq, %get3A_485, %eq3A_821 : vector<16xi32>
          %and3A_823 = arith.andi %eq3A_820, %eq3A_822 : vector<16xi1>
          %jit3A_824 = arith.constant -3.000000e+38 : f32
          %broadcast_in_dim3A_825 = vector.broadcast %jit3A_824 : f32 to vector<16xf32>
          %select_n3A_826 = arith.select %and3A_823, %broadcast_in_dim3A_825, %scan3A_566 : vector<16xi1>, vector<16xf32>
          %eq3A_827 = vector.broadcast %squeeze3A_784 : f32 to vector<16xf32>
          %eq3A_828 = arith.cmpf oeq, %scan3A_567, %eq3A_827 : vector<16xf32>
          %eq3A_829 = vector.broadcast %squeeze3A_818 : i32 to vector<16xi32>
          %eq3A_830 = arith.cmpi eq, %get3A_487, %eq3A_829 : vector<16xi32>
          %and3A_831 = arith.andi %eq3A_828, %eq3A_830 : vector<16xi1>
          %jit3A_832 = arith.constant -3.000000e+38 : f32
          %broadcast_in_dim3A_833 = vector.broadcast %jit3A_832 : f32 to vector<16xf32>
          %select_n3A_834 = arith.select %and3A_831, %broadcast_in_dim3A_833, %scan3A_567 : vector<16xi1>, vector<16xf32>
          %eq3A_835 = vector.broadcast %squeeze3A_784 : f32 to vector<16xf32>
          %eq3A_836 = arith.cmpf oeq, %scan3A_568, %eq3A_835 : vector<16xf32>
          %eq3A_837 = vector.broadcast %squeeze3A_818 : i32 to vector<16xi32>
          %eq3A_838 = arith.cmpi eq, %get3A_489, %eq3A_837 : vector<16xi32>
          %and3A_839 = arith.andi %eq3A_836, %eq3A_838 : vector<16xi1>
          %jit3A_840 = arith.constant -3.000000e+38 : f32
          %broadcast_in_dim3A_841 = vector.broadcast %jit3A_840 : f32 to vector<16xf32>
          %select_n3A_842 = arith.select %and3A_839, %broadcast_in_dim3A_841, %scan3A_568 : vector<16xi1>, vector<16xf32>
          %eq3A_843 = vector.broadcast %squeeze3A_784 : f32 to vector<16xf32>
          %eq3A_844 = arith.cmpf oeq, %scan3A_569, %eq3A_843 : vector<16xf32>
          %eq3A_845 = vector.broadcast %squeeze3A_818 : i32 to vector<16xi32>
          %eq3A_846 = arith.cmpi eq, %get3A_491, %eq3A_845 : vector<16xi32>
          %and3A_847 = arith.andi %eq3A_844, %eq3A_846 : vector<16xi1>
          %jit3A_848 = arith.constant -3.000000e+38 : f32
          %broadcast_in_dim3A_849 = vector.broadcast %jit3A_848 : f32 to vector<16xf32>
          %select_n3A_850 = arith.select %and3A_847, %broadcast_in_dim3A_849, %scan3A_569 : vector<16xi1>, vector<16xf32>
          %eq3A_851 = vector.broadcast %squeeze3A_784 : f32 to vector<16xf32>
          %eq3A_852 = arith.cmpf oeq, %scan3A_570, %eq3A_851 : vector<16xf32>
          %eq3A_853 = vector.broadcast %squeeze3A_818 : i32 to vector<16xi32>
          %eq3A_854 = arith.cmpi eq, %get3A_493, %eq3A_853 : vector<16xi32>
          %and3A_855 = arith.andi %eq3A_852, %eq3A_854 : vector<16xi1>
          %jit3A_856 = arith.constant -3.000000e+38 : f32
          %broadcast_in_dim3A_857 = vector.broadcast %jit3A_856 : f32 to vector<16xf32>
          %select_n3A_858 = arith.select %and3A_855, %broadcast_in_dim3A_857, %scan3A_570 : vector<16xi1>, vector<16xf32>
          scf.yield %squeeze3A_784, %squeeze3A_818, %select_n3A_826, %select_n3A_834, %select_n3A_842, %select_n3A_850, %select_n3A_858 : f32, i32, vector<16xf32>, vector<16xf32>, vector<16xf32>, vector<16xf32>, vector<16xf32>
        } else {
          %sub3A_777 = arith.subi %scan3A_565, %scan3A_472#0 : i32
          %get3A_778 = arith.index_cast %sub3A_777 : i32 to index
          %get3A_779 = tpu.vector_load %arg15[%get3A_778] {strides = array<i32>} : memref<160xf32, #tpu.memory_space<vmem>>, vector<16xf32>,
          %get3A_780 = arith.index_cast %sub3A_777 : i32 to index
          %get3A_781 = tpu.vector_load %arg16[%get3A_780] {strides = array<i32>} : memref<160xi32, #tpu.memory_space<vmem>>, vector<16xi32>,
          %slice3A_782 = vector.extract_strided_slice %get3A_779 {offsets = [0], sizes = [1], strides = [1]} : vector<16xf32> to vector<1xf32>
          %squeeze3A_783 = vector.extract %slice3A_782[0] : f32 from vector<1xf32>
          %slice3A_784 = vector.extract_strided_slice %get3A_781 {offsets = [0], sizes = [1], strides = [1]} : vector<16xi32> to vector<1xi32>
          %squeeze3A_785 = vector.extract %slice3A_784[0] : i32 from vector<1xi32>
          scf.yield %squeeze3A_783, %squeeze3A_785, %scan3A_566, %scan3A_567, %scan3A_568, %scan3A_569, %scan3A_570 : f32, i32, vector<16xf32>, vector<16xf32>, vector<16xf32>, vector<16xf32>, vector<16xf32>
        }
        %jit3A_583 = arith.constant 16 : i32
        %eq3A = arith.constant 0 : i32
        %eq3A_584 = arith.cmpi eq, %jit3A_583, %eq3A : i32
        %jit3A_585 = arith.constant 1 : i32
        %select_n3A_586 = arith.select %eq3A_584, %jit3A_585, %jit3A_583 : i32
        %rem3A = arith.remsi %scan3A_565, %select_n3A_586 : i32
        %ne3A = arith.constant 0 : i32
        %ne3A_587 = arith.cmpi ne, %rem3A, %ne3A : i32
        %lt3A_588 = arith.constant 0 : i32
        %lt3A_589 = arith.cmpi slt, %rem3A, %lt3A_588 : i32
        %lt3A_590 = arith.constant 0 : i32
        %lt3A_591 = arith.cmpi slt, %select_n3A_586, %lt3A_590 : i32
        %ne3A_592 = arith.xori %lt3A_589, %lt3A_591 : i1
        %and3A = arith.andi %ne3A_592, %ne3A_587 : i1
        %add3A_593 = arith.addi %rem3A, %select_n3A_586 : i32
        %select_n3A_594 = arith.select %and3A, %add3A_593, %rem3A : i32
        %eq3A_595 = vector.broadcast %select_n3A_594 : i32 to vector<16xi32>
        %eq3A_596 = arith.cmpi eq, %iota3A, %eq3A_595 : vector<16xi32>
        %jit3A_597 = arith.constant 16 : i32
        %div3A = arith.divsi %scan3A_565, %jit3A_597 : i32
        %sign3A = arith.constant 0 : i32
        %sign3A_598 = arith.cmpi sgt, %scan3A_565, %sign3A : i32
        %sign3A_599 = arith.extui %sign3A_598 : i1 to i32
        %sign3A_600 = arith.constant 0 : i32
        %sign3A_601 = arith.cmpi slt, %scan3A_565, %sign3A_600 : i32
        %sign3A_602 = arith.extui %sign3A_601 : i1 to i32
        %sign3A_603 = arith.subi %sign3A_599, %sign3A_602 : i32
        %sign3A_604 = arith.constant 0 : i32
        %sign3A_605 = arith.cmpi sgt, %jit3A_597, %sign3A_604 : i32
        %sign3A_606 = arith.extui %sign3A_605 : i1 to i32
        %sign3A_607 = arith.constant 0 : i32
        %sign3A_608 = arith.cmpi slt, %jit3A_597, %sign3A_607 : i32
        %sign3A_609 = arith.extui %sign3A_608 : i1 to i32
        %sign3A_610 = arith.subi %sign3A_606, %sign3A_609 : i32
        %ne3A_611 = arith.cmpi ne, %sign3A_603, %sign3A_610 : i32
        %rem3A_612 = arith.remsi %scan3A_565, %jit3A_597 : i32
        %ne3A_613 = arith.constant 0 : i32
        %ne3A_614 = arith.cmpi ne, %rem3A_612, %ne3A_613 : i32
        %and3A_615 = arith.andi %ne3A_611, %ne3A_614 : i1
        %sub3A_616 = arith.constant 1 : i32
        %sub3A_617 = arith.subi %div3A, %sub3A_616 : i32
        %select_n3A_618 = arith.select %and3A_615, %sub3A_617, %div3A : i32
        %eq3A_619 = arith.constant 0 : i32
        %eq3A_620 = arith.cmpi eq, %select_n3A_618, %eq3A_619 : i32
        %and3A_621 = vector.broadcast %eq3A_620 : i1 to vector<16xi1>
        %and3A_622 = arith.andi %eq3A_596, %and3A_621 : vector<16xi1>
        %broadcast_in_dim3A_623 = vector.broadcast %cond3A_582#0 : f32 to vector<16xf32>
        %select_n3A_624 = arith.select %and3A_622, %broadcast_in_dim3A_623, %scan3A_571 : vector<16xi1>, vector<16xf32>
        %broadcast_in_dim3A_625 = vector.broadcast %cond3A_582#1 : i32 to vector<16xi32>
        %select_n3A_626 = arith.select %and3A_622, %broadcast_in_dim3A_625, %scan3A_575 : vector<16xi1>, vector<16xi32>
        %jit3A_627 = arith.constant 16 : i32
        %eq3A_628 = arith.constant 0 : i32
        %eq3A_629 = arith.cmpi eq, %jit3A_627, %eq3A_628 : i32
        %jit3A_630 = arith.constant 1 : i32
        %select_n3A_631 = arith.select %eq3A_629, %jit3A_630, %jit3A_627 : i32
        %rem3A_632 = arith.remsi %scan3A_565, %select_n3A_631 : i32
        %ne3A_633 = arith.constant 0 : i32
        %ne3A_634 = arith.cmpi ne, %rem3A_632, %ne3A_633 : i32
        %lt3A_635 = arith.constant 0 : i32
        %lt3A_636 = arith.cmpi slt, %rem3A_632, %lt3A_635 : i32
        %lt3A_637 = arith.constant 0 : i32
        %lt3A_638 = arith.cmpi slt, %select_n3A_631, %lt3A_637 : i32
        %ne3A_639 = arith.xori %lt3A_636, %lt3A_638 : i1
        %and3A_640 = arith.andi %ne3A_639, %ne3A_634 : i1
        %add3A_641 = arith.addi %rem3A_632, %select_n3A_631 : i32
        %select_n3A_642 = arith.select %and3A_640, %add3A_641, %rem3A_632 : i32
        %eq3A_643 = vector.broadcast %select_n3A_642 : i32 to vector<16xi32>
        %eq3A_644 = arith.cmpi eq, %iota3A, %eq3A_643 : vector<16xi32>
        %jit3A_645 = arith.constant 16 : i32
        %div3A_646 = arith.divsi %scan3A_565, %jit3A_645 : i32
        %sign3A_647 = arith.constant 0 : i32
        %sign3A_648 = arith.cmpi sgt, %scan3A_565, %sign3A_647 : i32
        %sign3A_649 = arith.extui %sign3A_648 : i1 to i32
        %sign3A_650 = arith.constant 0 : i32
        %sign3A_651 = arith.cmpi slt, %scan3A_565, %sign3A_650 : i32
        %sign3A_652 = arith.extui %sign3A_651 : i1 to i32
        %sign3A_653 = arith.subi %sign3A_649, %sign3A_652 : i32
        %sign3A_654 = arith.constant 0 : i32
        %sign3A_655 = arith.cmpi sgt, %jit3A_645, %sign3A_654 : i32
        %sign3A_656 = arith.extui %sign3A_655 : i1 to i32
        %sign3A_657 = arith.constant 0 : i32
        %sign3A_658 = arith.cmpi slt, %jit3A_645, %sign3A_657 : i32
        %sign3A_659 = arith.extui %sign3A_658 : i1 to i32
        %sign3A_660 = arith.subi %sign3A_656, %sign3A_659 : i32
        %ne3A_661 = arith.cmpi ne, %sign3A_653, %sign3A_660 : i32
        %rem3A_662 = arith.remsi %scan3A_565, %jit3A_645 : i32
        %ne3A_663 = arith.constant 0 : i32
        %ne3A_664 = arith.cmpi ne, %rem3A_662, %ne3A_663 : i32
        %and3A_665 = arith.andi %ne3A_661, %ne3A_664 : i1
        %sub3A_666 = arith.constant 1 : i32
        %sub3A_667 = arith.subi %div3A_646, %sub3A_666 : i32
        %select_n3A_668 = arith.select %and3A_665, %sub3A_667, %div3A_646 : i32
        %eq3A_669 = arith.constant 1 : i32
        %eq3A_670 = arith.cmpi eq, %select_n3A_668, %eq3A_669 : i32
        %and3A_671 = vector.broadcast %eq3A_670 : i1 to vector<16xi1>
        %and3A_672 = arith.andi %eq3A_644, %and3A_671 : vector<16xi1>
        %broadcast_in_dim3A_673 = vector.broadcast %cond3A_582#0 : f32 to vector<16xf32>
        %select_n3A_674 = arith.select %and3A_672, %broadcast_in_dim3A_673, %scan3A_572 : vector<16xi1>, vector<16xf32>
        %broadcast_in_dim3A_675 = vector.broadcast %cond3A_582#1 : i32 to vector<16xi32>
        %select_n3A_676 = arith.select %and3A_672, %broadcast_in_dim3A_675, %scan3A_576 : vector<16xi1>, vector<16xi32>
        %jit3A_677 = arith.constant 16 : i32
        %eq3A_678 = arith.constant 0 : i32
        %eq3A_679 = arith.cmpi eq, %jit3A_677, %eq3A_678 : i32
        %jit3A_680 = arith.constant 1 : i32
        %select_n3A_681 = arith.select %eq3A_679, %jit3A_680, %jit3A_677 : i32
        %rem3A_682 = arith.remsi %scan3A_565, %select_n3A_681 : i32
        %ne3A_683 = arith.constant 0 : i32
        %ne3A_684 = arith.cmpi ne, %rem3A_682, %ne3A_683 : i32
        %lt3A_685 = arith.constant 0 : i32
        %lt3A_686 = arith.cmpi slt, %rem3A_682, %lt3A_685 : i32
        %lt3A_687 = arith.constant 0 : i32
        %lt3A_688 = arith.cmpi slt, %select_n3A_681, %lt3A_687 : i32
        %ne3A_689 = arith.xori %lt3A_686, %lt3A_688 : i1
        %and3A_690 = arith.andi %ne3A_689, %ne3A_684 : i1
        %add3A_691 = arith.addi %rem3A_682, %select_n3A_681 : i32
        %select_n3A_692 = arith.select %and3A_690, %add3A_691, %rem3A_682 : i32
        %eq3A_693 = vector.broadcast %select_n3A_692 : i32 to vector<16xi32>
        %eq3A_694 = arith.cmpi eq, %iota3A, %eq3A_693 : vector<16xi32>
        %jit3A_695 = arith.constant 16 : i32
        %div3A_696 = arith.divsi %scan3A_565, %jit3A_695 : i32
        %sign3A_697 = arith.constant 0 : i32
        %sign3A_698 = arith.cmpi sgt, %scan3A_565, %sign3A_697 : i32
        %sign3A_699 = arith.extui %sign3A_698 : i1 to i32
        %sign3A_700 = arith.constant 0 : i32
        %sign3A_701 = arith.cmpi slt, %scan3A_565, %sign3A_700 : i32
        %sign3A_702 = arith.extui %sign3A_701 : i1 to i32
        %sign3A_703 = arith.subi %sign3A_699, %sign3A_702 : i32
        %sign3A_704 = arith.constant 0 : i32
        %sign3A_705 = arith.cmpi sgt, %jit3A_695, %sign3A_704 : i32
        %sign3A_706 = arith.extui %sign3A_705 : i1 to i32
        %sign3A_707 = arith.constant 0 : i32
        %sign3A_708 = arith.cmpi slt, %jit3A_695, %sign3A_707 : i32
        %sign3A_709 = arith.extui %sign3A_708 : i1 to i32
        %sign3A_710 = arith.subi %sign3A_706, %sign3A_709 : i32
        %ne3A_711 = arith.cmpi ne, %sign3A_703, %sign3A_710 : i32
        %rem3A_712 = arith.remsi %scan3A_565, %jit3A_695 : i32
        %ne3A_713 = arith.constant 0 : i32
        %ne3A_714 = arith.cmpi ne, %rem3A_712, %ne3A_713 : i32
        %and3A_715 = arith.andi %ne3A_711, %ne3A_714 : i1
        %sub3A_716 = arith.constant 1 : i32
        %sub3A_717 = arith.subi %div3A_696, %sub3A_716 : i32
        %select_n3A_718 = arith.select %and3A_715, %sub3A_717, %div3A_696 : i32
        %eq3A_719 = arith.constant 2 : i32
        %eq3A_720 = arith.cmpi eq, %select_n3A_718, %eq3A_719 : i32
        %and3A_721 = vector.broadcast %eq3A_720 : i1 to vector<16xi1>
        %and3A_722 = arith.andi %eq3A_694, %and3A_721 : vector<16xi1>
        %broadcast_in_dim3A_723 = vector.broadcast %cond3A_582#0 : f32 to vector<16xf32>
        %select_n3A_724 = arith.select %and3A_722, %broadcast_in_dim3A_723, %scan3A_573 : vector<16xi1>, vector<16xf32>
        %broadcast_in_dim3A_725 = vector.broadcast %cond3A_582#1 : i32 to vector<16xi32>
        %select_n3A_726 = arith.select %and3A_722, %broadcast_in_dim3A_725, %scan3A_577 : vector<16xi1>, vector<16xi32>
        %jit3A_727 = arith.constant 16 : i32
        %eq3A_728 = arith.constant 0 : i32
        %eq3A_729 = arith.cmpi eq, %jit3A_727, %eq3A_728 : i32
        %jit3A_730 = arith.constant 1 : i32
        %select_n3A_731 = arith.select %eq3A_729, %jit3A_730, %jit3A_727 : i32
        %rem3A_732 = arith.remsi %scan3A_565, %select_n3A_731 : i32
        %ne3A_733 = arith.constant 0 : i32
        %ne3A_734 = arith.cmpi ne, %rem3A_732, %ne3A_733 : i32
        %lt3A_735 = arith.constant 0 : i32
        %lt3A_736 = arith.cmpi slt, %rem3A_732, %lt3A_735 : i32
        %lt3A_737 = arith.constant 0 : i32
        %lt3A_738 = arith.cmpi slt, %select_n3A_731, %lt3A_737 : i32
        %ne3A_739 = arith.xori %lt3A_736, %lt3A_738 : i1
        %and3A_740 = arith.andi %ne3A_739, %ne3A_734 : i1
        %add3A_741 = arith.addi %rem3A_732, %select_n3A_731 : i32
        %select_n3A_742 = arith.select %and3A_740, %add3A_741, %rem3A_732 : i32
        %eq3A_743 = vector.broadcast %select_n3A_742 : i32 to vector<16xi32>
        %eq3A_744 = arith.cmpi eq, %iota3A, %eq3A_743 : vector<16xi32>
        %jit3A_745 = arith.constant 16 : i32
        %div3A_746 = arith.divsi %scan3A_565, %jit3A_745 : i32
        %sign3A_747 = arith.constant 0 : i32
        %sign3A_748 = arith.cmpi sgt, %scan3A_565, %sign3A_747 : i32
        %sign3A_749 = arith.extui %sign3A_748 : i1 to i32
        %sign3A_750 = arith.constant 0 : i32
        %sign3A_751 = arith.cmpi slt, %scan3A_565, %sign3A_750 : i32
        %sign3A_752 = arith.extui %sign3A_751 : i1 to i32
        %sign3A_753 = arith.subi %sign3A_749, %sign3A_752 : i32
        %sign3A_754 = arith.constant 0 : i32
        %sign3A_755 = arith.cmpi sgt, %jit3A_745, %sign3A_754 : i32
        %sign3A_756 = arith.extui %sign3A_755 : i1 to i32
        %sign3A_757 = arith.constant 0 : i32
        %sign3A_758 = arith.cmpi slt, %jit3A_745, %sign3A_757 : i32
        %sign3A_759 = arith.extui %sign3A_758 : i1 to i32
        %sign3A_760 = arith.subi %sign3A_756, %sign3A_759 : i32
        %ne3A_761 = arith.cmpi ne, %sign3A_753, %sign3A_760 : i32
        %rem3A_762 = arith.remsi %scan3A_565, %jit3A_745 : i32
        %ne3A_763 = arith.constant 0 : i32
        %ne3A_764 = arith.cmpi ne, %rem3A_762, %ne3A_763 : i32
        %and3A_765 = arith.andi %ne3A_761, %ne3A_764 : i1
        %sub3A_766 = arith.constant 1 : i32
        %sub3A_767 = arith.subi %div3A_746, %sub3A_766 : i32
        %select_n3A_768 = arith.select %and3A_765, %sub3A_767, %div3A_746 : i32
        %eq3A_769 = arith.constant 3 : i32
        %eq3A_770 = arith.cmpi eq, %select_n3A_768, %eq3A_769 : i32
        %and3A_771 = vector.broadcast %eq3A_770 : i1 to vector<16xi1>
        %and3A_772 = arith.andi %eq3A_744, %and3A_771 : vector<16xi1>
        %broadcast_in_dim3A_773 = vector.broadcast %cond3A_582#0 : f32 to vector<16xf32>
        %select_n3A_774 = arith.select %and3A_772, %broadcast_in_dim3A_773, %scan3A_574 : vector<16xi1>, vector<16xf32>
        %broadcast_in_dim3A_775 = vector.broadcast %cond3A_582#1 : i32 to vector<16xi32>
        %select_n3A_776 = arith.select %and3A_772, %broadcast_in_dim3A_775, %scan3A_578 : vector<16xi1>, vector<16xi32>
        scf.yield %cond3A_582#2, %cond3A_582#3, %cond3A_582#4, %cond3A_582#5, %cond3A_582#6, %select_n3A_624, %select_n3A_674, %select_n3A_724, %select_n3A_774, %select_n3A_626, %select_n3A_676, %select_n3A_726, %select_n3A_776 : vector<16xf32>, vector<16xf32>, vector<16xf32>, vector<16xf32>, vector<16xf32>, vector<16xf32>, vector<16xf32>, vector<16xf32>, vector<16xf32>, vector<16xi32>, vector<16xi32>, vector<16xi32>, vector<16xi32>
      }
      %scan3A_539 = arith.constant 64 : i32
      %swap3A_540 = arith.index_cast %scan3A_9 : i32 to index
      %swap3A_541 = arith.constant 0 : index
      %swap3A_542 = tpu.vector_load %arg17[%swap3A_540, %swap3A_541] {strides = array<i32>} : memref<32x64xf32, #tpu.memory_space<vmem>>, vector<16xf32>,
      tpu.vector_store %arg17[%swap3A_540, %swap3A_541], %scan3A_538#5 {strides = array<i32>} : memref<32x64xf32, #tpu.memory_space<vmem>>, vector<16xf32>,
      %swap3A_543 = arith.index_cast %scan3A_9 : i32 to index
      %swap3A_544 = arith.constant 0 : index
      %swap3A_545 = tpu.vector_load %arg18[%swap3A_543, %swap3A_544] {strides = array<i32>} : memref<32x64xi32, #tpu.memory_space<vmem>>, vector<16xi32>,
      tpu.vector_store %arg18[%swap3A_543, %swap3A_544], %scan3A_538#9 {strides = array<i32>} : memref<32x64xi32, #tpu.memory_space<vmem>>, vector<16xi32>,
      %swap3A_546 = arith.index_cast %scan3A_9 : i32 to index
      %swap3A_547 = arith.constant 16 : index
      %swap3A_548 = tpu.vector_load %arg17[%swap3A_546, %swap3A_547] {strides = array<i32>} : memref<32x64xf32, #tpu.memory_space<vmem>>, vector<16xf32>,
      tpu.vector_store %arg17[%swap3A_546, %swap3A_547], %scan3A_538#6 {strides = array<i32>} : memref<32x64xf32, #tpu.memory_space<vmem>>, vector<16xf32>,
      %swap3A_549 = arith.index_cast %scan3A_9 : i32 to index
      %swap3A_550 = arith.constant 16 : index
      %swap3A_551 = tpu.vector_load %arg18[%swap3A_549, %swap3A_550] {strides = array<i32>} : memref<32x64xi32, #tpu.memory_space<vmem>>, vector<16xi32>,
      tpu.vector_store %arg18[%swap3A_549, %swap3A_550], %scan3A_538#10 {strides = array<i32>} : memref<32x64xi32, #tpu.memory_space<vmem>>, vector<16xi32>,
      %swap3A_552 = arith.index_cast %scan3A_9 : i32 to index
      %swap3A_553 = arith.constant 32 : index
      %swap3A_554 = tpu.vector_load %arg17[%swap3A_552, %swap3A_553] {strides = array<i32>} : memref<32x64xf32, #tpu.memory_space<vmem>>, vector<16xf32>,
      tpu.vector_store %arg17[%swap3A_552, %swap3A_553], %scan3A_538#7 {strides = array<i32>} : memref<32x64xf32, #tpu.memory_space<vmem>>, vector<16xf32>,
      %swap3A_555 = arith.index_cast %scan3A_9 : i32 to index
      %swap3A_556 = arith.constant 32 : index
      %swap3A_557 = tpu.vector_load %arg18[%swap3A_555, %swap3A_556] {strides = array<i32>} : memref<32x64xi32, #tpu.memory_space<vmem>>, vector<16xi32>,
      tpu.vector_store %arg18[%swap3A_555, %swap3A_556], %scan3A_538#11 {strides = array<i32>} : memref<32x64xi32, #tpu.memory_space<vmem>>, vector<16xi32>,
      %swap3A_558 = arith.index_cast %scan3A_9 : i32 to index
      %swap3A_559 = arith.constant 48 : index
      %swap3A_560 = tpu.vector_load %arg17[%swap3A_558, %swap3A_559] {strides = array<i32>} : memref<32x64xf32, #tpu.memory_space<vmem>>, vector<16xf32>,
      tpu.vector_store %arg17[%swap3A_558, %swap3A_559], %scan3A_538#8 {strides = array<i32>} : memref<32x64xf32, #tpu.memory_space<vmem>>, vector<16xf32>,
      %swap3A_561 = arith.index_cast %scan3A_9 : i32 to index
      %swap3A_562 = arith.constant 48 : index
      %swap3A_563 = tpu.vector_load %arg18[%swap3A_561, %swap3A_562] {strides = array<i32>} : memref<32x64xi32, #tpu.memory_space<vmem>>, vector<16xi32>,
      tpu.vector_store %arg18[%swap3A_561, %swap3A_562], %scan3A_538#12 {strides = array<i32>} : memref<32x64xi32, #tpu.memory_space<vmem>>, vector<16xi32>,
      %scan3A_564 = arith.constant 0 : i32
      scf.yield %scan3A_564 : i32
    }
    %scan3A_8 = arith.constant 32 : i32
    "tpu.region"() ({
      %run_scoped3A = tpu.sem_alloc : memref<!tpu.dma_semaphore, #tpu.memory_space<semaphore_mem>>
      %dma_start3A = arith.constant 0 : i32
      %dma_start3A_9 = tpu.memref_slice %arg5[%mul3A_2, %dma_start3A] : memref<1024x64xf32, #tpu.memory_space<hbm>> -> memref<32x64xf32, #tpu.memory_space<hbm>>
      %dma_start3A_10 = arith.constant 0 : i32
      %dma_start3A_11 = tpu.memref_slice %arg5[%mul3A_2, %dma_start3A_10] : memref<1024x64xf32, #tpu.memory_space<hbm>> -> memref<32x64xf32, #tpu.memory_space<hbm>>
      tpu.enqueue_dma source(%arg17 : memref<32x64xf32, #tpu.memory_space<vmem>>) target(%dma_start3A_11 : memref<32x64xf32, #tpu.memory_space<hbm>>) target_semaphore(%run_scoped3A : memref<!tpu.dma_semaphore, #tpu.memory_space<semaphore_mem>>)
      %dma_wait3A = arith.constant 0 : i32
      %dma_wait3A_12 = tpu.memref_slice %arg5[%mul3A_2, %dma_wait3A] : memref<1024x64xf32, #tpu.memory_space<hbm>> -> memref<32x64xf32, #tpu.memory_space<hbm>>
      %dma_wait3A_13 = arith.constant 0 : i32
      %dma_wait3A_14 = tpu.memref_slice %arg5[%mul3A_2, %dma_wait3A_13] : memref<1024x64xf32, #tpu.memory_space<hbm>> -> memref<32x64xf32, #tpu.memory_space<hbm>>
      tpu.wait_dma2 semaphore(%run_scoped3A : memref<!tpu.dma_semaphore, #tpu.memory_space<semaphore_mem>>) src(%arg17 : memref<32x64xf32, #tpu.memory_space<vmem>>) dst(%dma_wait3A_14 : memref<32x64xf32, #tpu.memory_space<hbm>>)
      tpu.yield
    }) : () -> ()
    "tpu.region"() ({
      %run_scoped3A = tpu.sem_alloc : memref<!tpu.dma_semaphore, #tpu.memory_space<semaphore_mem>>
      %dma_start3A = arith.constant 0 : i32
      %dma_start3A_9 = tpu.memref_slice %arg6[%mul3A_2, %dma_start3A] : memref<1024x64xi32, #tpu.memory_space<hbm>> -> memref<32x64xi32, #tpu.memory_space<hbm>>
      %dma_start3A_10 = arith.constant 0 : i32
      %dma_start3A_11 = tpu.memref_slice %arg6[%mul3A_2, %dma_start3A_10] : memref<1024x64xi32, #tpu.memory_space<hbm>> -> memref<32x64xi32, #tpu.memory_space<hbm>>
      tpu.enqueue_dma source(%arg18 : memref<32x64xi32, #tpu.memory_space<vmem>>) target(%dma_start3A_11 : memref<32x64xi32, #tpu.memory_space<hbm>>) target_semaphore(%run_scoped3A : memref<!tpu.dma_semaphore, #tpu.memory_space<semaphore_mem>>)
      %dma_wait3A = arith.constant 0 : i32
      %dma_wait3A_12 = tpu.memref_slice %arg6[%mul3A_2, %dma_wait3A] : memref<1024x64xi32, #tpu.memory_space<hbm>> -> memref<32x64xi32, #tpu.memory_space<hbm>>
      %dma_wait3A_13 = arith.constant 0 : i32
      %dma_wait3A_14 = tpu.memref_slice %arg6[%mul3A_2, %dma_wait3A_13] : memref<1024x64xi32, #tpu.memory_space<hbm>> -> memref<32x64xi32, #tpu.memory_space<hbm>>
      tpu.wait_dma2 semaphore(%run_scoped3A : memref<!tpu.dma_semaphore, #tpu.memory_space<semaphore_mem>>) src(%arg18 : memref<32x64xi32, #tpu.memory_space<vmem>>) dst(%dma_wait3A_14 : memref<32x64xi32, #tpu.memory_space<hbm>>)
      tpu.yield
    }) : () -> ()
    return
  }
}

module attributes {stable_mosaic.version = 14 : i64} {
  func.func @_mm_body(%arg0: i32, %arg1: memref<1024x1024xbf16, #tpu.memory_space<vmem>>, %arg2: memref<512x1024xbf16, #tpu.memory_space<vmem>>, %arg3: memref<1024x512xf32, #tpu.memory_space<vmem>>) attributes {dimension_semantics = [#tpu.dimension_semantics<arbitrary>], iteration_bounds = array<i64: 196>, scalar_prefetch = 0 : i64, scratch_operands = 0 : i64, tpu.core_type = #tpu.core_type<tc>, window_params = [{pipeline_mode = #tpu.pipeline_mode<synchronous>, transform_indices = @transform_0, window_bounds = array<i64: 1024, 1024>}, {transform_indices = @transform_1, window_bounds = array<i64: 512, 1024>}, {transform_indices = @transform_2, window_bounds = array<i64: 1024, 512>}]} {
    %get3A = arith.constant 0 : index
    %get3A_0 = arith.constant 0 : index
    %get3A_1 = vector.load %arg1[%get3A, %get3A_0] : memref<1024x1024xbf16, #tpu.memory_space<vmem>>, vector<1024x1024xbf16>
    %get3A_2 = arith.constant 0 : index
    %get3A_3 = arith.constant 0 : index
    %get3A_4 = vector.load %arg2[%get3A_2, %get3A_3] : memref<512x1024xbf16, #tpu.memory_space<vmem>>, vector<512x1024xbf16>
    %dot_general3A = arith.constant dense<0.000000e+00> : vector<1024x512xf32>
    %dot_general3A_5 = tpu.matmul %get3A_1, %get3A_4, %dot_general3A {dimension_numbers = #tpu.dot_dimension_numbers<[1], [1], [0], [0], [0, 0, 1, 0], [], []>, transpose_lhs_hint = false} : vector<1024x1024xbf16>, vector<512x1024xbf16>, vector<1024x512xf32> -> vector<1024x512xf32>
    %swap3A = arith.constant 0 : index
    %swap3A_6 = arith.constant 0 : index
    %swap3A_7 = vector.load %arg3[%swap3A, %swap3A_6] : memref<1024x512xf32, #tpu.memory_space<vmem>>, vector<1024x512xf32>
    tpu.vector_store %arg3[%swap3A, %swap3A_6], %dot_general3A_5 {strides = array<i32>} : memref<1024x512xf32, #tpu.memory_space<vmem>>, vector<1024x512xf32>,
    return
  }
  func.func @transform_0(%arg0: i32) -> (i32, i32) {
    %c0_i32 = arith.constant 0 : i32
    %c0_i32_0 = arith.constant 0 : i32
    %c0_i32_1 = arith.constant 0 : i32
    return %c0_i32, %c0_i32_0 : i32, i32
  }
  func.func @transform_1(%arg0: i32) -> (i32, i32) {
    %c0_i32 = arith.constant 0 : i32
    %c0_i32_0 = arith.constant 0 : i32
    return %arg0, %c0_i32 : i32, i32
  }
  func.func @transform_2(%arg0: i32) -> (i32, i32) {
    %c0_i32 = arith.constant 0 : i32
    %c0_i32_0 = arith.constant 0 : i32
    return %c0_i32, %arg0 : i32, i32
  }
}

module attributes {stable_mosaic.version = 14 : i64} {
  func.func @_stat_body(%arg0: i32, %arg1: memref<1024x512xf32, #tpu.memory_space<vmem>>, %arg2: memref<1x1024x4xf32, #tpu.memory_space<vmem>>) attributes {dimension_semantics = [#tpu.dimension_semantics<arbitrary>], iteration_bounds = array<i64: 196>, scalar_prefetch = 0 : i64, scratch_operands = 0 : i64, tpu.core_type = #tpu.core_type<tc>, window_params = [{transform_indices = @transform_0, window_bounds = array<i64: 1024, 512>}, {transform_indices = @transform_1, window_bounds = array<i64: 1, 1024, 4>}]} {
    %get3A = arith.constant 0 : index
    %get3A_0 = arith.constant 0 : index
    %get3A_1 = vector.load %arg1[%get3A, %get3A_0] : memref<1024x512xf32, #tpu.memory_space<vmem>>, vector<1024x512xf32>
    %mul3A = arith.constant 512 : i32
    %mul3A_2 = arith.muli %arg0, %mul3A : i32
    %iota3A = tpu.iota {dimensions = array<i32: 1>} : vector<1x512xi32>
    %add3A = vector.broadcast %mul3A_2 : i32 to vector<1x512xi32>
    %add3A_3 = arith.addi %add3A, %iota3A : vector<1x512xi32>
    %lt3A = arith.constant 100000 : i32
    %lt3A_4 = vector.broadcast %lt3A : i32 to vector<1x512xi32>
    %lt3A_5 = arith.cmpi slt, %add3A_3, %lt3A_4 : vector<1x512xi32>
    %jit3A = arith.constant -1.000000e+30 : f32
    %broadcast_in_dim3A = vector.shape_cast %lt3A_5 : vector<1x512xi1> to vector<1x512xi1>
    %broadcast_in_dim3A_6 = vector.broadcast %broadcast_in_dim3A : vector<1x512xi1> to vector<1024x512xi1>
    %broadcast_in_dim3A_7 = vector.broadcast %jit3A : f32 to vector<1024x512xf32>
    %select_n3A = arith.select %broadcast_in_dim3A_6, %get3A_1, %broadcast_in_dim3A_7 : vector<1024x512xi1>, vector<1024x512xf32>
    %reshape3A = vector.shape_cast %select_n3A : vector<1024x512xf32> to vector<1024x4x128xf32>
    %reduce_max3A = arith.constant dense<0xFF800000> : vector<1024x4xf32>
    %reduce_max3A_8 = vector.multi_reduction <maximumf>, %reshape3A, %reduce_max3A [2] : vector<1024x4x128xf32> to vector<1024x4xf32>
    %broadcast_in_dim3A_9 = vector.shape_cast %reduce_max3A_8 : vector<1024x4xf32> to vector<1x1024x4xf32>
    %swap3A = arith.constant 0 : index
    %swap3A_10 = arith.constant 0 : index
    %swap3A_11 = arith.constant 0 : index
    %swap3A_12 = vector.load %arg2[%swap3A, %swap3A_10, %swap3A_11] : memref<1x1024x4xf32, #tpu.memory_space<vmem>>, vector<1x1024x4xf32>
    tpu.vector_store %arg2[%swap3A, %swap3A_10, %swap3A_11], %broadcast_in_dim3A_9 {strides = array<i32>} : memref<1x1024x4xf32, #tpu.memory_space<vmem>>, vector<1x1024x4xf32>,
    return
  }
  func.func @transform_0(%arg0: i32) -> (i32, i32) {
    %c0_i32 = arith.constant 0 : i32
    %c0_i32_0 = arith.constant 0 : i32
    return %c0_i32, %arg0 : i32, i32
  }
  func.func @transform_1(%arg0: i32) -> (i32, i32, i32) {
    %c0_i32 = arith.constant 0 : i32
    %c0_i32_0 = arith.constant 0 : i32
    %c0_i32_1 = arith.constant 0 : i32
    return %arg0, %c0_i32, %c0_i32_0 : i32, i32, i32
  }
}

</mosaic_0001>

<sc_bundles>
// kernel: kernel.5.cloned.1.call-start
scs
__scs_entry_jumppad:
0x0: {  	(pc) =	sbr.rel $0x88, $3  }
0x1: {  	(tag) =	ssettag $0x0;
	lr =	simm.s32 $0x1  }
0x2: {  	[smem:$0x3F9F] =	sst lr;
	_ =	strace $0xD0000000  }
0x3: {  	_ = 	snop  }
0x4: {  	_ = 	snop  }
0x5: {  	_ = 	snop  }
0x6: {  	_ = 	snop  }
0x7: {  	_ = 	snop  }
__scs_overlays_trampoline_lowered:
0x8: {  	[smem:$0x3FAE] =	sst s0  }
0x9: {  	[smem:$0x3FAF] =	sst s1  }
0xa: {  	[smem:$0x3FB0] =	sst s2  }
0xb: {  	[smem:$0x3FB1] =	sst s3  }
0xc: {  	[smem:$0x3FB2] =	sst s4  }
0xd: {  	[smem:$0x3FB3] =	sst s5  }
0xe: {  	[smem:$0x3FB4] =	sst s6  }
0xf: {  	[smem:$0x3FB5] =	sst s7  }
0x10: {  	[smem:$0x3FB6] =	sst s8  }
0x11: {  	[smem:$0x3FB7] =	sst s9;
	s0 =	simm.s32 @!p0 $0x0  }
0x12: {  	s1 =	sld [smem:$0x3F9D];
	s0 =	simm.s32 @p0 $0x1  }
0x13: {  	[smem:$0x3FB8] =	sst s0;
	s0 =	simm.s32 @!p1 $0x0  }
0x14: {  	s2 =	sld [smem:$0x3F9C];
	s0 =	simm.s32 @p1 $0x1  }
0x15: {  	[smem:$0x3FB9] =	sst s0;
	s0 =	simm.s32 @!p2 $0x0  }
0x16: {  	s3 =	sld [smem:$0x3FDB];
	s0 =	simm.s32 @p2 $0x1  }
0x17: {  	s4 =	simm.s32 $0x1BF5;
	[smem:$0x3FBB] =	sst s0  }
0x18: {  	s0 =	sld [smem:$0x3F9E];
	_ =	swait.ge [sflag:s4], $0x0  }
0x19: {  	s7 =	sld [smem:$0x3F9F]  }
0x1a: {  	s8 =	sadd.s32 $0xFFFFE003, lr  }
0x1b: {  	s9 =	sadd.s32 $0xFFFFFEF7, lr;
	s5 =	simm.s32 $0xFFFFFFFF;
	p2 =	slt.u32 s8, $0xFFFFF086  }
0x1c: {  	p1 =	slt.u32 s9, $0xF7A;
	s5 =	simm.s32 @!p2 $0x0  }
0x1d: {  	s5 =	simm.s32 @p1 $0x1;
	p0 =	seq.s32 s7, s2  }
0x1e: {  	s7 =	smul.u32 @!p0 $0xF7A, s2;
	p2 =	seq.s32 @!p0 s5, $0x0  }
0x1f: {  	s9 =	smul.u32 $0xF7A, s1;
	s8 =	simm.s32 @!p0 $0x1BF5;
	p2 =	por !p2, p0  }
0x20: {  	[sflag:s8] =	ssyncset.s32 @!p0 $0xFFFFF086;
	s6 =	sadd.s32 @!p0 s3, s7;
	s7 =	simm.s32 @!p0 $0x108  }
0x21: {  	s3 =	sadd.s32 s3, s9;
	s6 =	sadd.s32 @!p0 $0x88, s6;
	s7 =	simm.s32 @p2 $0x1082  }
0x22: {  	[simem:s7], [sflag:s8] =	dma.local @!p0 [hbm:s6], $0xF7A  }
0x23: {  	s9 =	sor.u32 $0xD0000000, s2;
	s6 =	simm.s32 $0x108;
	_ =	swait.ge @!p0 [sflag:s8], $0x0  }
0x24: {  	s3 =	sadd.s32 $0x88, s3;
	s6 =	simm.s32 @!p1 $0x1082;
	[sflag:s4] =	ssyncset.s32 $0xFFFFF086  }
0x25: {  	[simem:s6], [sflag:s4] =	dma.local [hbm:s3], $0xF7A  }
0x26: {  	[smem:$0x3F9F] =	sst s1;
	(tag) =	ssettag s2;
	_ =	strace s9  }
0x27: {  	s1 =	sld [smem:$0x3FAF]  }
0x28: {  	s2 =	sld [smem:$0x3FB0]  }
0x29: {  	s4 =	sld [smem:$0x3FB2]  }
0x2a: {  	p0 =	seq.s32 s5, $0x0;
	s5 =	sld [smem:$0x3FB3]  }
0x2b: {  	s6 =	sld [smem:$0x3FB4]  }
0x2c: {  	s7 =	sld [smem:$0x3FB5]  }
0x2d: {  	s3 =	simm.s32 $0x108;
	s8 =	sld [smem:$0x3FB6]  }
0x2e: {  	s3 =	simm.s32 @!p0 $0x1082;
	s9 =	sld [smem:$0x3FB7]  }
0x2f: {  	lr =	sadd.s32 s0, s3;
	s0 =	sld [smem:$0x3FAE]  }
0x30: {  	s3 =	sld [smem:$0x3FB1]  }
0x31: {  	[smem:$0x3FBA] =	sst s10  }
0x32: {  	s10 =	sld [smem:$0x3FB8];
	_ =	sdelay $0x3  }
0x33: {  	p0 =	seq.s32 s10, $0x1;
	s10 =	sld [smem:$0x3FBA];
	_ =	sdelay $0x3  }
0x34: {  	[smem:$0x3FBA] =	sst s10  }
0x35: {  	s10 =	sld [smem:$0x3FB9];
	_ =	sdelay $0x3  }
0x36: {  	p1 =	seq.s32 s10, $0x1;
	s10 =	sld [smem:$0x3FBA];
	_ =	sdelay $0x3  }
0x37: {  	[smem:$0x3FBA] =	sst s10  }
0x38: {  	s10 =	sld [smem:$0x3FBB]  }
0x39: {  	_ = 	snop;
	(pc) =	sbr.ind lr, $3  }
0x3a: {  	_ = 	snop  }
0x3b: {  	_ = 	snop  }
0x3c: {  	p2 =	seq.s32 s10, $0x1;
	s10 =	sld [smem:$0x3FBA]  }
0x3d: {  	_ =	shalt  }
0x3e: {  	_ =	shalt  }
0x3f: {  	_ =	shalt  }
0x40: {  	_ =	shalt  }
0x41: {  	_ =	shalt  }
0x42: {  	_ =	shalt  }
0x43: {  	_ =	shalt  }
0x44: {  	_ =	shalt  }
0x45: {  	_ =	shalt  }
0x46: {  	_ =	shalt  }
0x47: {  	_ =	shalt  }
0x48: {  	_ =	shalt  }
0x49: {  	_ =	shalt  }
0x4a: {  	_ =	shalt  }
0x4b: {  	_ =	shalt  }
0x4c: {  	_ =	shalt  }
0x4d: {  	_ =	shalt  }
0x4e: {  	_ =	shalt  }
0x4f: {  	_ =	shalt  }
0x50: {  	_ =	shalt  }
0x51: {  	_ =	shalt  }
0x52: {  	_ =	shalt  }
0x53: {  	_ =	shalt  }
0x54: {  	_ =	shalt  }
0x55: {  	_ =	shalt  }
0x56: {  	_ =	shalt  }
0x57: {  	_ =	shalt  }
0x58: {  	_ =	shalt  }
0x59: {  	_ =	shalt  }
0x5a: {  	_ =	shalt  }
0x5b: {  	_ =	shalt  }
0x5c: {  	_ =	shalt  }
0x5d: {  	_ =	shalt  }
0x5e: {  	_ =	shalt  }
0x5f: {  	_ =	shalt  }
0x60: {  	_ =	shalt  }
0x61: {  	_ =	shalt  }
0x62: {  	_ =	shalt  }
0x63: {  	_ =	shalt  }
0x64: {  	_ =	shalt  }
0x65: {  	_ =	shalt  }
0x66: {  	_ =	shalt  }
0x67: {  	_ =	shalt  }
0x68: {  	_ =	shalt  }
0x69: {  	_ =	shalt  }
0x6a: {  	_ =	shalt  }
0x6b: {  	_ =	shalt  }
0x6c: {  	_ =	shalt  }
0x6d: {  	_ =	shalt  }
0x6e: {  	_ =	shalt  }
0x6f: {  	_ =	shalt  }
0x70: {  	_ =	shalt  }
0x71: {  	_ =	shalt  }
0x72: {  	_ =	shalt  }
0x73: {  	_ =	shalt  }
0x74: {  	_ =	shalt  }
0x75: {  	_ =	shalt  }
0x76: {  	_ =	shalt  }
0x77: {  	_ =	shalt  }
0x78: {  	_ =	shalt  }
0x79: {  	_ =	shalt  }
0x7a: {  	_ =	shalt  }
0x7b: {  	_ =	shalt  }
0x7c: {  	_ =	shalt  }
0x7d: {  	_ =	shalt  }
0x7e: {  	_ =	shalt  }
0x7f: {  	_ =	shalt  }
0x80: {  	_ =	shalt  }
0x81: {  	_ =	shalt  }
0x82: {  	_ =	shalt  }
0x83: {  	_ =	shalt  }
0x84: {  	_ =	shalt  }
0x85: {  	_ =	shalt  }
0x86: {  	_ =	shalt  }
0x87: {  	_ =	shalt  }
.Lfunc_end0:
.L_simem_size_0:
called_computation_lowered:
.L_overlay_start_0:
0x88: {  	s2 =	sld [smem:$0x3FD9]  }
0x89: {  	s3 =	sld [smem:$0x3FFE];
	_ =	sdelay $0x1  }
0x8a: {  	s1 =	srdreg.scid  }
0x8b: {  	s0 =	sand.u32 $0x1, s1  }
0x8c: {  	s16 =	sshll.u32 s0, $0xA;
	s2 =	sadd.s32 s3, s2  }
0x8d: {  	s2 =	sadd.s32 s2, s16  }
0x8e: {  	[smem:$0x3FC6] =	sst s2  }
0x8f: {  	_ = 	snop  }
0x90: {  	(tm) =	ssettm $0x1  }
0x91: {  	s17 =	sld [smem:$0x3FFB];
	_ =	sdelay $0x3  }
0x92: {  	_ =	strace s17  }
0x93: {  	s2 =	sld [smem:$0x3FFC];
	_ =	sdelay $0x3  }
0x94: {  	_ =	strace s2  }
0x95: {  	s2 =	sld [smem:$0x3FFD];
	_ =	sdelay $0x3  }
0x96: {  	_ =	strace s2  }
0x97: {  	_ =	strace $0x8FFFFFFF  }
0x98: {  	s18 =	sld [smem:$0x3FDB];
	_ =	sdelay $0x1  }
0x99: {  	s19 =	simm.s32 $_scs_section_size  }
0x9a: {  	s4 =	simm.s32 $_size__tile_overlayer_lowered;
	s5 =	simm.s32 $_tile_overlayer_lowered  }
0x9b: {  	s22 =	simm.s32 $0x1BFF;
	s21 =	sshll.u32 s5, $0x1;
	s2 =	sadd.s32 s19, s18  }
0x9c: {  	s6 =	simm.s32 $0x0;
	s20 =	sshll.u32 s4, $0x1;
	s4 =	sadd.s32 s21, s2  }
0x9d: {  	[timem:s6], [sflag:s22] =	dma.local [hbm:s4], s20  }
0x9e: {  	_ =	swait.ge [sflag:s22], s20  }
0x9f: {  	s3 =	ssub.s32 $0x0, s20;
	[sflag:s22] =	ssyncset.done $0x0  }
0xa0: {  	[sflag:s22] =	ssyncadd.s32 s3;
	_ =	sdelay $0x1  }
0xa1: {  	s23 =	simm.s32 $0x1B8B  }
0xa2: {  	_ =	swait.ge [sflag:s23], $0x1  }
0xa3: {  	[sflag:s23] =	ssyncset.done $0x0  }
0xa4: {  	s25 =	simm.s32 $0x1B8E;
	s24 =	sld [smem:$0x3FFE];
	[sflag:s23] =	ssyncadd.s32 $0xFFFFFFFF  }
0xa5: {  	s26 =	simm.s32 $execute0_lowered;
	[smem:$0x3FD2] =	sst s25  }
0xa6: {  	s4 =	sshll.u32 s26, $0x1;
	_ =	strace $0x80000046;
	[dreg:$0x1] =	wrdreg $0xFFFFFFFF  }
0xa7: {  	s28 =	simm.s32 $_size_execute0_lowered;
	s2 =	sadd.s32 s2, s4;
	[dreg:$0x0] =	wrdreg $0x0  }
0xa8: {  	s4 =	sshll.u32 s28, $0x1;
	[dreg:$0x2] =	wrdreg s2  }
0xa9: {  	[dreg:$0x3] =	wrdreg s4  }
0xaa: {  	[dreg:$0x4] =	wrdreg $0xC0  }
0xab: {  	_ =	task [dreg:s6], $0x5FFFF  }
0xac: {  	[dreg:$0x1] =	wrdreg $0xFFFFFFFF  }
0xad: {  	[dreg:$0x0] =	wrdreg $0x60  }
0xae: {  	[dreg:$0x2] =	wrdreg s24  }
0xaf: {  	[dreg:$0x3] =	wrdreg $0x9  }
0xb0: {  	_ =	task.clear_ibuf [dreg:s6], $0x4FFFF;
	_ =	strace $0x90000046  }
0xb1: {  	s29 =	simm.s32 $0x9;
	_ =	strace $0x80000048  }
0xb2: {  	_ =	swait.ge [sflag:s29], $0x1  }
0xb3: {  	[sflag:s29] =	ssyncadd.s32 $0xFFFFFFFF  }
0xb4: {  	_ =	strace $0x90000048  }
0xb5: {  	_ =	sfence  }
0xb6: {  	s30 =	sld [smem:$0x0];
	_ =	sdelay $0x2  }
0xb7: {  	s31 =	sshll.u32 s1, $0xD;
	s1 =	sshrl.u32 s1, $0x2  }
0xb8: {  	s3 =	sand.u32 $0x4000, s31;
	s1 =	sadd.s32 s1, s30  }
0xb9: {  	s0 =	sor.u32 s3, s0;
	s1 =	sshll.u32 s1, $0x11  }
0xba: {  	s0 =	sor.u32 s1, s0  }
0xbb: {  	s0 =	sadd.s32 $0x8F2B, s0  }
0xbc: {  	[sflag:s0] =	ssyncadd.remote.s32 $0x1  }
0xbd: {  	_ =	sfence.sel $0xFFFF  }
0xbe: {  	[dreg:$0x0] =	wrdreg $0xFFFFFFFF;
	(pc) =	sbr.abs _section_cstart, $3  }
0xbf: {  	[dreg:$0x1] =	wrdreg $0xFFFFFFFF  }
0xc0: {  	_ =	task.clear_ibuf [dreg:s6], $0x2FFFF;
	_ =	strace $0x9FFFFFFF  }
0xc1: {  	(tm) =	ssettm $0x7FFFFFFF  }
tec
execute0_lowered:
.L_overlay_start_1:
0x0: {  	(tag) =	ssettag $0x1  }
0x1: {  	s1 =	srdreg.scid;
	s0 =	stileid.u32  }
0x2: {  	s5 =	rddreg [dreg:$0x0];
	s2 =	simm.s32 $0x0;
	s10 =	simm.s32 $0x2  }
0x3: {  	s11 =	simm.s32 $0x9980;
	s12 =	simm.s32 $0x50;
	s13 =	simm.s32 $0x7000  }
0x4: {  	s14 =	simm.s32 $0x1;
	s15 =	simm.s32 $0xAC80;
	s16 =	simm.s32 $0xBC80  }
0x5: {  	s17 =	simm.s32 $0x0;
	s4 =	sand.u32 $0x1, s1;
	s1 =	rddreg [dreg:$0x1]  }
0x6: {  	s3 =	sshll.u32 s0, $0x6;
	[smem:$0x7FF] =	sst s2;
	s6 =	sshll.u32 s4, $0x5  }
0x7: {  	_ =	strace $0x80000047;
	s7 =	ssub.s32 $0x2, s4;
	s3 =	sor.u32 s6, s3  }
0x8: {  	v0 =	vlaneseq.u32;
	s9 =	sshrl.u32 s7, $0x1;
	s6 =	sshrl.u32 s3, $0x3;
	s8 =	sshll.u32 s3, $0x4  }
0x9: {  	v1 =	vmul.u32 $0xFFFFFFFF, v0;
	s9 =	ssub.s32 s7, s9;
	s6 =	smul.u32 $0x380, s6;
	s8 =	sadd.s32 s8, s5  }
0xa: {  	s4 =	sadd.s32 $0x187A800, s5;
	s9 =	smax.u32 s9, $0x1;
	s7 =	sadd.s32 $0x20000, s8  }
0xb: {  	vm0 =	vmxor vm0, vm0;
	v1 =	vadd.s32 $0xF, v1;
	s5 =	sadd.s32 s5, s6;
	s6 =	sadd.s32 $0x1C000, s8;
	s8 =	sadd.s32 $0x24000, s8  }
.LBB2_1:
0xc: {  	[tilespmem:s2], [sflag:$0x2] =	stream.linear.gather [hbm4b:s5+s2], $0x7000, $0x38;
	[tilespmem:$0xCC80] =	vst v63  }
0xd: {  	_ =	swait.ge [sflag:s10], $0x7000  }
0xe: {  	[sflag:s10] =	ssyncset.done $0x0  }
0xf: {  	[sflag:s10] =	ssyncadd.s32 $0xFFFF9000  }
0x10: {  	[tilespmem:s11], [sflag:$0x2] =	stream.linear.gather [hbm4b:s6+s2], $0x1000, $0x38;
	[tilespmem:$0xCC80] =	vst v63  }
0x11: {  	_ =	swait.ge [sflag:s10], $0x1000  }
0x12: {  	[sflag:s10] =	ssyncset.done $0x0  }
0x13: {  	s18 =	simm.s32 $0x0;
	[sflag:s10] =	ssyncadd.s32 $0xFFFFF000  }
.LBB2_2:
0x14: {  	s19 =	sshrl.u32 s18, $0x3  }
0x15: {  	s20 =	smul.u32 $0x7000, s19  }
0x16: {  	s19 =	sshll.u32 s18, $0x7  }
0x17: {  	s22 =	simm.s32 $0x0;
	s21 =	sand.u32 $0x380, s19;
	s20 =	sshra.s32 s20, $0x2  }
0x18: {  	s28 =	sand.u32 $0x1C00, s22;
	s20 =	sor.u32 s21, s20  }
0x19: {  	s23 =	sand.u32 $0x70, s22;
	s21 =	sadd.s32 s28, s20  }
0x1a: {  	s21 =	sadd.s32 s23, s21  }
0x1b: {  	v3 =	vld [tilespmem:s21+$0x0];
	_ =	sdelay $0x1  }
0x1c: {  	v2 =	vimm.f32 $-3.000000010e+38  }
0x1d: {  	v4 =	vbroadcast v2, $0x0;
	_ =	sdelay $0x1  }
0x1e: {  	vm1 =	vgt.f32 v3, v4  }
0x1f: {  	v4 =	vmpcnt.ones.xlane vm1;
	_ =	sdelay $0x1  }
0x20: {  	(v2sf) =	vpush v4, $0x0;
	_ =	sdelay $0xe  }
0x21: {  	s29 =	spop (v2sf)  }
0x22: {  	p1 =	slt.s32 s29, $0x1  }
0x23: {  	v4 =	vlaneseq.u32 @!p1  }
0x24: {  	v5 =	vor.u32 @!p1 s22, v4  }
0x25: {  	(xrf1) =	vsort.ascd.msk.f32 @!p1 $0xffff, v3, v5;
	_ =	sdelay $0xb  }
0x26: {  	v3 =	vmul.u32 @!p1 $0xFFFFFFFF, v4;
	_ =	sdelay $0x1  }
0x27: {  	v3 =	vadd.s32 @!p1 $0xF, v3;
	v4, v5, _ =	vpop @!p1 (xrf1)  }
0x28: {  	v6 =	vperm.xlane @!p1 v4, v3  }
0x29: {  	v5 =	vperm.xlane @!p1 v5, v3  }
0x2a: {  	v4 =	vimm.s32 $0x0;
	vm1 =	vgt.f32 @!p1 v2, v6  }
0x2b: {  	v6 =	vsel @!p1 vm1, v2, v6;
	v5 =	vsel @!p1 vm1, v4, v5  }
0x2c: {  	(xrf1) =	vsort.ascd.msk.f32 @!p1 $0xffff, v6, v5;
	_ =	sdelay $0xb  }
0x2d: {  	p0 =	por p1, p1  }
0x2e: {  	v6 =	vperm.xlane @!p0 v2, v3  }
0x2f: {  	v3 =	vperm.xlane @!p0 v4, v3;
	v5, v7, _ =	vpop @!p1 (xrf1)  }
0x30: {  	vm1 =	vgt.f32 @!p0 v5, v6  }
0x31: {  	v8 =	vsel @!p0 vm1, v5, v6;
	v9 =	vsel @!p0 vm1, v7, v3  }
0x32: {  	(xrf1) =	vsort.ascd.msk.f32 @!p0 $0xffff, v8, v9;
	_ =	sdelay $0x3  }
0x33: {  	v5 =	vsel @!p0 vm1, v6, v5;
	v7 =	vsel @!p0 vm1, v3, v7  }
0x34: {  	(xrf1) =	vsort.ascd.msk.f32 @!p0 $0xffff, v5, v7;
	_ =	sdelay $0x8  }
0x35: {  	s21 =	simm.s32 $0x80;
	v7, v8, _ =	vpop @!p1 (xrf1)  }
0x36: {  	s30 =	sand.u32 $0x1C00, s21;
	s22 =	simm.s32 $0x10;
	vm1 =	vgt.f32 @!p0 v7, v6  }
0x37: {  	s23 =	sadd.s32 s30, s20;
	s24 =	sand.u32 $0x70, s22;
	v5 =	vsel @!p0 vm1, v7, v6  }
0x38: {  	s23 =	sadd.s32 s24, s23;
	v9 =	vsel @!p0 vm1, v8, v3  }
0x39: {  	(xrf1) =	vsort.ascd.msk.f32 @!p0 $0xffff, v5, v9;
	v9 =	vld [tilespmem:s23+$0x0]  }
0x3a: {  	v5, v10, _ =	vpop @!p1 (xrf1)  }
0x3b: {  	v5 =	vpsel p0, v2, v5  }
0x3c: {  	v11 =	vbroadcast v5, $0x0;
	_ =	sdelay $0x1  }
0x3d: {  	vm2 =	vgt.f32 v9, v11  }
0x3e: {  	v11 =	vmpcnt.ones.xlane vm2;
	_ =	sdelay $0x1  }
0x3f: {  	(v2sf) =	vpush v11, $0x0;
	_ =	sdelay $0x7  }
0x40: {  	v11, v12, _ =	vpop @!p1 (xrf1)  }
0x41: {  	v7 =	vsel @!p0 vm1, v6, v7;
	v8 =	vsel @!p0 vm1, v3, v8;
	vm1 =	vgt.f32 @!p0 v11, v6  }
0x42: {  	(xrf1) =	vsort.ascd.msk.f32 @!p0 $0xffff, v7, v8;
	v7 =	vsel @!p0 vm1, v11, v6;
	v8 =	vsel @!p0 vm1, v12, v3  }
0x43: {  	(xrf1) =	vsort.ascd.msk.f32 @!p0 $0xffff, v7, v8;
	_ =	sdelay $0x3  }
0x44: {  	s31 =	spop (v2sf)  }
0x45: {  	p3 =	slt.s32 s31, $0x1  }
0x46: {  	v7 =	vsel @!p0 vm1, v6, v11;
	v8 =	vsel @!p0 vm1, v3, v12;
	v11 =	vlaneseq.u32 @!p3  }
0x47: {  	(xrf1) =	vsort.ascd.msk.f32 @!p0 $0xffff, v7, v8;
	v7 =	vor.u32 @!p3 s22, v11  }
0x48: {  	(xrf1) =	vsort.ascd.msk.f32 @!p3 $0xffff, v9, v7;
	_ =	sdelay $0x4  }
0x49: {  	v7, v9, _ =	vpop @!p1 (xrf1)  }
0x4a: {  	v12, v13, _ =	vpop @!p1 (xrf1)  }
0x4b: {  	vm1 =	vgt.f32 @!p0 v12, v6  }
0x4c: {  	v8 =	vsel @!p0 vm1, v12, v6;
	v14 =	vsel @!p0 vm1, v13, v3  }
0x4d: {  	(xrf1) =	vsort.ascd.msk.f32 @!p0 $0xffff, v8, v14  }
0x4e: {  	v12 =	vsel @!p0 vm1, v6, v12;
	v3 =	vsel @!p0 vm1, v3, v13  }
0x4f: {  	(xrf1) =	vsort.ascd.msk.f32 @!p0 $0xffff, v12, v3  }
0x50: {  	v8 =	vmul.u32 @!p3 $0xFFFFFFFF, v11  }
0x51: {  	v14, v15, _ =	vpop @!p1 (xrf1)  }
0x52: {  	v11 =	vadd.s32 @!p3 $0xF, v8;
	v16, v17, _ =	vpop @!p3 (xrf1)  }
0x53: {  	v8 =	vpsel p0, v2, v7;
	v7 =	vperm.xlane @!p3 v16, v11  }
0x54: {  	v16 =	vperm.xlane @!p3 v17, v11  }
0x55: {  	v10 =	vpsel p0, v4, v10;
	vm1 =	vgt.f32 @!p3 v5, v7  }
0x56: {  	v12 =	vsel @!p3 vm1, v5, v7;
	v13 =	vsel @!p3 vm1, v10, v16  }
0x57: {  	(xrf1) =	vsort.ascd.msk.f32 @!p3 $0xffff, v12, v13;
	_ =	sdelay $0x2  }
0x58: {  	v9 =	vpsel p0, v4, v9;
	v6 =	vpsel p0, v2, v14  }
0x59: {  	s22 =	simm.s32 $0x20;
	v3 =	vld [tilespmem:s19+$0x9980];
	v7 =	vpsel p0, v4, v15;
	v12 =	vimm.f32 $-3.000000010e+38;
	v13 =	vimm.s32 $0x0;
	v15, v14, _ =	vpop @!p1 (xrf1)  }
.LBB2_3:
0x5a: {  	p2 =	por p1, p1;
	p1 =	por p3, p3  }
0x5b: {  	v2 =	vpsel p0, v2, v15;
	v4 =	vpsel p0, v4, v14;
	s23 =	smov.u32 s22;
	s22 =	sadd.s32 $0x10, s22;
	v14, v15, _ =	vpop @!p2 (xrf1)  }
0x5c: {  	p2 =	sne.s32 s22, $0x310;
	v12 =	vpsel p0, v12, v14;
	v13 =	vpsel p0, v13, v15;
	p0 =	por p3, p3;
	_ =	sdelay $0x5  }
0x5d: {  	v14 =	vperm.xlane @!p0 v8, v11  }
0x5e: {  	v15 =	vperm.xlane @!p0 v9, v11;
	v16, v17, _ =	vpop @!p3 (xrf1)  }
0x5f: {  	vm1 =	vgt.f32 @!p0 v16, v14  }
0x60: {  	v18 =	vsel @!p0 vm1, v16, v14;
	v19 =	vsel @!p0 vm1, v17, v15;
	v14 =	vsel @!p0 vm1, v14, v16  }
0x61: {  	v15 =	vsel @!p0 vm1, v15, v17;
	(xrf1) =	vsort.ascd.msk.f32 @!p0 $0xffff, v18, v19  }
0x62: {  	(xrf1) =	vsort.ascd.msk.f32 @!p0 $0xffff, v14, v15;
	_ =	sdelay $0x8  }
0x63: {  	s21 =	sadd.s32 $0x80, s21  }
0x64: {  	s24 =	sand.u32 $0x1C00, s21  }
0x65: {  	s25 =	sand.u32 $0x70, s23;
	s24 =	sadd.s32 s24, s20  }
0x66: {  	s24 =	sadd.s32 s25, s24;
	v14 =	vperm.xlane @!p0 v6, v11  }
0x67: {  	v16 =	vperm.xlane @!p0 v7, v11;
	v15 =	vld [tilespmem:s24+$0x0];
	v17, v18, _ =	vpop @!p3 (xrf1)  }
0x68: {  	vm1 =	vgt.f32 @!p0 v17, v14;
	v19, v20, _ =	vpop @!p3 (xrf1)  }
0x69: {  	v21 =	vsel @!p0 vm1, v17, v14;
	v22 =	vsel @!p0 vm1, v18, v16;
	v5 =	vpsel p0, v5, v19  }
0x6a: {  	v14 =	vsel @!p0 vm1, v14, v17;
	v16 =	vsel @!p0 vm1, v16, v18;
	v19 =	vbroadcast v5, $0x0;
	(xrf1) =	vsort.ascd.msk.f32 @!p0 $0xffff, v21, v22  }
0x6b: {  	v10 =	vpsel p0, v10, v20;
	(xrf1) =	vsort.ascd.msk.f32 @!p0 $0xffff, v14, v16  }
0x6c: {  	vm1 =	vgt.f32 v15, v19  }
0x6d: {  	v14 =	vmpcnt.ones.xlane vm1;
	_ =	sdelay $0x1  }
0x6e: {  	(v2sf) =	vpush v14, $0x0;
	_ =	sdelay $0x7  }
0x6f: {  	v14 =	vperm.xlane @!p0 v12, v11  }
0x70: {  	v16 =	vperm.xlane @!p0 v13, v11;
	v17, v18, _ =	vpop @!p3 (xrf1)  }
0x71: {  	vm1 =	vgt.f32 @!p0 v17, v14;
	v19, v20, _ =	vpop @!p3 (xrf1)  }
0x72: {  	v21 =	vsel @!p0 vm1, v17, v14;
	v22 =	vsel @!p0 vm1, v18, v16;
	v14 =	vsel @!p0 vm1, v14, v17  }
0x73: {  	v16 =	vsel @!p0 vm1, v16, v18;
	v8 =	vpsel p0, v8, v19;
	(xrf1) =	vsort.ascd.msk.f32 @!p0 $0xffff, v21, v22  }
0x74: {  	v9 =	vpsel p0, v9, v20;
	(xrf1) =	vsort.ascd.msk.f32 @!p0 $0xffff, v14, v16;
	_ =	sdelay $0x1  }
0x75: {  	s24 =	spop (v2sf)  }
0x76: {  	p3 =	slt.s32 s24, $0x1  }
0x77: {  	v14 =	vlaneseq.u32 @!p3  }
0x78: {  	v16 =	vor.u32 @!p3 s23, v14;
	v14 =	vmul.u32 @!p3 $0xFFFFFFFF, v14  }
0x79: {  	(xrf1) =	vsort.ascd.msk.f32 @!p3 $0xffff, v15, v16;
	_ =	sdelay $0x5  }
0x7a: {  	v15 =	vperm.xlane @!p0 v2, v11  }
0x7b: {  	v11 =	vperm.xlane @!p0 v4, v11;
	v16, v17, _ =	vpop @!p1 (xrf1)  }
0x7c: {  	vm1 =	vgt.f32 @!p0 v16, v15;
	v18, v19, _ =	vpop @!p1 (xrf1)  }
0x7d: {  	v20 =	vsel @!p0 vm1, v16, v15;
	v21 =	vsel @!p0 vm1, v17, v11;
	v15 =	vsel @!p0 vm1, v15, v16  }
0x7e: {  	v11 =	vsel @!p0 vm1, v11, v17;
	v6 =	vpsel p0, v6, v18;
	(xrf1) =	vsort.ascd.msk.f32 @!p0 $0xffff, v20, v21  }
0x7f: {  	v7 =	vpsel p0, v7, v19;
	(xrf1) =	vsort.ascd.msk.f32 @!p0 $0xffff, v15, v11;
	_ =	sdelay $0x2  }
0x80: {  	v11 =	vadd.s32 @!p3 $0xF, v14;
	v14, v15, _ =	vpop @!p3 (xrf1)  }
0x81: {  	v14 =	vperm.xlane @!p3 v14, v11;
	v15 =	vperm.xlane @!p3 v15, v11;
	_ =	sdelay $0x1  }
0x82: {  	vm1 =	vgt.f32 @!p3 v5, v14  }
0x83: {  	v14 =	vsel @!p3 vm1, v5, v14;
	v15 =	vsel @!p3 vm1, v10, v15  }
0x84: {  	(xrf1) =	vsort.ascd.msk.f32 @!p3 $0xffff, v14, v15  }
.Ltmp0:
0x85: {  	(pc) =	sbr.rel @p2 .LBB2_3-.Ltmp0, $2  }
0x86: {  	_ =	sdelay $0x2  }
0x87: {  	v15, v14, _ =	vpop @!p1 (xrf1)  }
0x88: {  	_ =	sdelay $0x5  }
0x89: {  	p2 =	por p3, p3  }
0x8a: {  	v16, v17, _ =	vpop @!p1 (xrf1);
	v18 =	vperm.xlane @!p2 v8, v11  }
0x8b: {  	v19 =	vperm.xlane @!p2 v9, v11;
	v20, v21, _ =	vpop @!p3 (xrf1)  }
0x8c: {  	vm1 =	vgt.f32 @!p2 v20, v18  }
0x8d: {  	v22 =	vsel @!p2 vm1, v20, v18;
	v23 =	vsel @!p2 vm1, v21, v19  }
0x8e: {  	(xrf1) =	vsort.ascd.msk.f32 @!p2 $0xffff, v22, v23;
	_ =	sdelay $0xc  }
0x8f: {  	v22 =	vperm.xlane @!p2 v6, v11  }
0x90: {  	v23 =	vperm.xlane @!p2 v7, v11;
	v24, v25, _ =	vpop @!p3 (xrf1)  }
0x91: {  	v18 =	vsel @!p2 vm1, v18, v20;
	v19 =	vsel @!p2 vm1, v19, v21;
	vm1 =	vgt.f32 @!p2 v24, v22  }
0x92: {  	(xrf1) =	vsort.ascd.msk.f32 @!p2 $0xffff, v18, v19;
	v18 =	vsel @!p2 vm1, v24, v22;
	v19 =	vsel @!p2 vm1, v25, v23  }
0x93: {  	(xrf1) =	vsort.ascd.msk.f32 @!p2 $0xffff, v18, v19;
	_ =	sdelay $0xb  }
0x94: {  	v12 =	vpsel p0, v12, v16  }
0x95: {  	v13 =	vpsel p0, v13, v17;
	v18 =	vperm.xlane @!p2 v12, v11;
	v16, v17, _ =	vpop @!p3 (xrf1)  }
0x96: {  	v19 =	vperm.xlane @!p2 v13, v11;
	v20, v21, _ =	vpop @!p3 (xrf1)  }
0x97: {  	v22 =	vsel @!p2 vm1, v22, v24;
	v23 =	vsel @!p2 vm1, v23, v25;
	vm1 =	vgt.f32 @!p2 v20, v18  }
0x98: {  	(xrf1) =	vsort.ascd.msk.f32 @!p2 $0xffff, v22, v23;
	v22 =	vsel @!p2 vm1, v20, v18;
	v23 =	vsel @!p2 vm1, v21, v19  }
0x99: {  	(xrf1) =	vsort.ascd.msk.f32 @!p2 $0xffff, v22, v23;
	_ =	sdelay $0xb  }
0x9a: {  	v2 =	vpsel p0, v2, v15  }
0x9b: {  	v4 =	vpsel p0, v4, v14;
	v22 =	vperm.xlane @!p2 v2, v11;
	v14, v15, _ =	vpop @!p3 (xrf1)  }
0x9c: {  	v10 =	vpsel p2, v10, v17;
	v11 =	vperm.xlane @!p2 v4, v11;
	v17, v23, _ =	vpop @!p3 (xrf1)  }
0x9d: {  	v18 =	vsel @!p2 vm1, v18, v20;
	v19 =	vsel @!p2 vm1, v19, v21;
	vm1 =	vgt.f32 @!p2 v17, v22  }
0x9e: {  	(xrf1) =	vsort.ascd.msk.f32 @!p2 $0xffff, v18, v19;
	v18 =	vsel @!p2 vm1, v17, v22;
	v19 =	vsel @!p2 vm1, v23, v11  }
0x9f: {  	v17 =	vsel @!p2 vm1, v22, v17;
	v11 =	vsel @!p2 vm1, v11, v23;
	(xrf1) =	vsort.ascd.msk.f32 @!p2 $0xffff, v18, v19  }
0xa0: {  	v5 =	vpsel p2, v5, v16;
	v10 =	vxor.u32 $0x80000000, v10;
	v60 =	vpsel p2, v9, v15;
	(xrf1) =	vsort.ascd.msk.f32 @!p2 $0xffff, v17, v11  }
0xa1: {  	v8 =	vpsel p2, v8, v14;
	(xrf1) =	vsort.ascd.msk.u32 $0xffff, v10, v5;
	v5 =	vxor.u32 $0x80000000, v60  }
0xa2: {  	(xrf1) =	vsort.ascd.msk.u32 $0xffff, v5, v8;
	_ =	sdelay $0x9  }
0xa3: {  	v5, v8, _ =	vpop @!p3 (xrf1)  }
0xa4: {  	v9, v10, _ =	vpop @!p3 (xrf1)  }
0xa5: {  	v11, v14, _ =	vpop @!p3 (xrf1)  }
0xa6: {  	v62, v61, _ =	vpop (xrf1)  }
0xa7: {  	v21, v63, _ =	vpop (xrf1)  }
0xa8: {  	v17 =	vxor.u32 $0x80000000, v21  }
0xa9: {  	v17 =	vperm.xlane v17, v1  }
0xaa: {  	v15 =	vxor.u32 $0x80000000, v62  }
0xab: {  	v18 =	vperm.xlane v63, v1;
	vm1 =	vgt.s32 v15, v17  }
0xac: {  	v22 =	vsel vm1, v17, v15  }
0xad: {  	v15 =	vsel vm1, v15, v17;
	v23 =	vsel vm1, v18, v61;
	v19 =	vxor.u32 $0x80000000, v22  }
0xae: {  	v7 =	vpsel p2, v7, v8;
	v8 =	vsel vm1, v61, v18;
	v15 =	vxor.u32 $0x80000000, v15;
	(xrf1) =	vsort.ascd.msk.u32 $0xffff, v19, v23  }
0xaf: {  	v5 =	vpsel p2, v6, v5;
	v6 =	vxor.u32 $0x80000000, v7;
	(xrf1) =	vsort.ascd.msk.u32 $0xffff, v15, v8  }
0xb0: {  	(xrf1) =	vsort.ascd.msk.u32 $0xffff, v6, v5;
	_ =	sdelay $0xb  }
0xb1: {  	v5, v6, _ =	vpop (xrf1)  }
0xb2: {  	v7, v8, _ =	vpop (xrf1)  }
0xb3: {  	v25, v24, _ =	vpop (xrf1)  }
0xb4: {  	v15 =	vxor.u32 $0x80000000, v25  }
0xb5: {  	v15 =	vperm.xlane v15, v1  }
0xb6: {  	v5 =	vxor.u32 $0x80000000, v5  }
0xb7: {  	v16 =	vperm.xlane v24, v1;
	vm1 =	vgt.s32 v5, v15  }
0xb8: {  	v26 =	vsel vm1, v15, v5  }
0xb9: {  	v5 =	vsel vm1, v5, v15;
	v27 =	vsel vm1, v16, v6;
	v17 =	vxor.u32 $0x80000000, v26  }
0xba: {  	v6 =	vsel vm1, v6, v16;
	v5 =	vxor.u32 $0x80000000, v5;
	(xrf1) =	vsort.ascd.msk.u32 $0xffff, v17, v27  }
0xbb: {  	(xrf1) =	vsort.ascd.msk.u32 $0xffff, v5, v6;
	_ =	sdelay $0xc  }
0xbc: {  	v5, v6, _ =	vpop (xrf1)  }
0xbd: {  	v29, v28, _ =	vpop (xrf1)  }
0xbe: {  	v15 =	vxor.u32 $0x80000000, v29  }
0xbf: {  	v15 =	vperm.xlane v15, v1  }
0xc0: {  	v7 =	vxor.u32 $0x80000000, v7  }
0xc1: {  	v16 =	vperm.xlane v28, v1;
	vm1 =	vgt.s32 v7, v15  }
0xc2: {  	v30 =	vsel vm1, v15, v7  }
0xc3: {  	v7 =	vsel vm1, v7, v15;
	v31 =	vsel vm1, v16, v8;
	v17 =	vxor.u32 $0x80000000, v30  }
0xc4: {  	v13 =	vpsel p2, v13, v14;
	v8 =	vsel vm1, v8, v16;
	v7 =	vxor.u32 $0x80000000, v7;
	(xrf1) =	vsort.ascd.msk.u32 $0xffff, v17, v31  }
0xc5: {  	v11 =	vpsel p2, v12, v11;
	(xrf1) =	vsort.ascd.msk.u32 $0xffff, v7, v8;
	v7 =	vxor.u32 $0x80000000, v13  }
0xc6: {  	(xrf1) =	vsort.ascd.msk.u32 $0xffff, v7, v11;
	_ =	sdelay $0xb  }
0xc7: {  	v7, v8, _ =	vpop (xrf1)  }
0xc8: {  	v32, v12, _ =	vpop (xrf1)  }
0xc9: {  	v33, v14, _ =	vpop (xrf1)  }
0xca: {  	v13 =	vxor.u32 $0x80000000, v33  }
0xcb: {  	v13 =	vperm.xlane v13, v1  }
0xcc: {  	v5 =	vxor.u32 $0x80000000, v5  }
0xcd: {  	v14 =	vperm.xlane v14, v1;
	vm1 =	vgt.s32 v5, v13  }
0xce: {  	v34 =	vsel vm1, v13, v5  }
0xcf: {  	v5 =	vsel vm1, v5, v13;
	v35 =	vsel vm1, v14, v6;
	v15 =	vxor.u32 $0x80000000, v34  }
0xd0: {  	v6 =	vsel vm1, v6, v14;
	v5 =	vxor.u32 $0x80000000, v5;
	(xrf1) =	vsort.ascd.msk.u32 $0xffff, v15, v35  }
0xd1: {  	(xrf1) =	vsort.ascd.msk.u32 $0xffff, v5, v6;
	_ =	sdelay $0xc  }
0xd2: {  	v5, v6, _ =	vpop (xrf1)  }
0xd3: {  	v37, v36, _ =	vpop (xrf1)  }
0xd4: {  	v13 =	vxor.u32 $0x80000000, v37  }
0xd5: {  	v13 =	vperm.xlane v13, v1  }
0xd6: {  	v7 =	vxor.u32 $0x80000000, v7  }
0xd7: {  	v14 =	vperm.xlane v36, v1;
	vm1 =	vgt.s32 v7, v13  }
0xd8: {  	v38 =	vsel vm1, v13, v7  }
0xd9: {  	v7 =	vsel vm1, v7, v13;
	v39 =	vsel vm1, v14, v8;
	v15 =	vxor.u32 $0x80000000, v38  }
0xda: {  	v8 =	vsel vm1, v8, v14;
	v7 =	vxor.u32 $0x80000000, v7;
	(xrf1) =	vsort.ascd.msk.u32 $0xffff, v15, v39  }
0xdb: {  	(xrf1) =	vsort.ascd.msk.u32 $0xffff, v7, v8;
	_ =	sdelay $0xc  }
0xdc: {  	v7, v8, _ =	vpop (xrf1)  }
0xdd: {  	v41, v40, _ =	vpop (xrf1)  }
0xde: {  	v13 =	vxor.u32 $0x80000000, v41  }
0xdf: {  	v13 =	vperm.xlane v13, v1  }
0xe0: {  	v11 =	vxor.u32 $0x80000000, v32  }
0xe1: {  	v14 =	vperm.xlane v40, v1;
	vm1 =	vgt.s32 v11, v13  }
0xe2: {  	v42 =	vsel vm1, v13, v11  }
0xe3: {  	v11 =	vsel vm1, v11, v13;
	v43 =	vsel vm1, v14, v12;
	v15 =	vxor.u32 $0x80000000, v42  }
0xe4: {  	v4 =	vpsel p2, v4, v10;
	v44 =	vsel vm1, v12, v14;
	v11 =	vxor.u32 $0x80000000, v11;
	(xrf1) =	vsort.ascd.msk.u32 $0xffff, v15, v43  }
0xe5: {  	v2 =	vpsel p2, v2, v9;
	v4 =	vxor.u32 $0x80000000, v4;
	(xrf1) =	vsort.ascd.msk.u32 $0xffff, v11, v44  }
0xe6: {  	(xrf1) =	vsort.ascd.msk.u32 $0xffff, v4, v2;
	_ =	sdelay $0xb  }
0xe7: {  	v2, v4, _ =	vpop (xrf1)  }
0xe8: {  	v45, v10, _ =	vpop (xrf1)  }
0xe9: {  	v47, v46, _ =	vpop (xrf1)  }
0xea: {  	v11 =	vxor.u32 $0x80000000, v47  }
0xeb: {  	v11 =	vperm.xlane v11, v1  }
0xec: {  	v5 =	vxor.u32 $0x80000000, v5  }
0xed: {  	v12 =	vperm.xlane v46, v1;
	vm1 =	vgt.s32 v5, v11  }
0xee: {  	v48 =	vsel vm1, v11, v5  }
0xef: {  	v5 =	vsel vm1, v5, v11;
	v49 =	vsel vm1, v12, v6;
	v13 =	vxor.u32 $0x80000000, v48  }
0xf0: {  	v6 =	vsel vm1, v6, v12;
	v5 =	vxor.u32 $0x80000000, v5;
	(xrf1) =	vsort.ascd.msk.u32 $0xffff, v13, v49  }
0xf1: {  	(xrf1) =	vsort.ascd.msk.u32 $0xffff, v5, v6;
	_ =	sdelay $0xc  }
0xf2: {  	v5, v6, _ =	vpop (xrf1)  }
0xf3: {  	v51, v50, _ =	vpop (xrf1)  }
0xf4: {  	v11 =	vxor.u32 $0x80000000, v51  }
0xf5: {  	v11 =	vperm.xlane v11, v1  }
0xf6: {  	v7 =	vxor.u32 $0x80000000, v7  }
0xf7: {  	v12 =	vperm.xlane v50, v1;
	vm1 =	vgt.s32 v7, v11  }
0xf8: {  	v52 =	vsel vm1, v11, v7  }
0xf9: {  	v7 =	vsel vm1, v7, v11;
	v53 =	vsel vm1, v12, v8;
	v13 =	vxor.u32 $0x80000000, v52  }
0xfa: {  	v8 =	vsel vm1, v8, v12;
	v7 =	vxor.u32 $0x80000000, v7;
	(xrf1) =	vsort.ascd.msk.u32 $0xffff, v13, v53  }
0xfb: {  	(xrf1) =	vsort.ascd.msk.u32 $0xffff, v7, v8;
	_ =	sdelay $0xc  }
0xfc: {  	v7, v8, _ =	vpop (xrf1)  }
0xfd: {  	v55, v54, _ =	vpop (xrf1)  }
0xfe: {  	v11 =	vxor.u32 $0x80000000, v55  }
0xff: {  	v11 =	vperm.xlane v11, v1  }
0x100: {  	v2 =	vxor.u32 $0x80000000, v2  }
0x101: {  	v12 =	vperm.xlane v54, v1;
	vm1 =	vgt.s32 v2, v11  }
0x102: {  	v56 =	vsel vm1, v11, v2  }
0x103: {  	v2 =	vsel vm1, v2, v11;
	v57 =	vsel vm1, v12, v4;
	v13 =	vxor.u32 $0x80000000, v56  }
0x104: {  	v4 =	vsel vm1, v4, v12;
	v2 =	vxor.u32 $0x80000000, v2;
	(xrf1) =	vsort.ascd.msk.u32 $0xffff, v13, v57  }
0x105: {  	(xrf1) =	vsort.ascd.msk.u32 $0xffff, v2, v4;
	_ =	sdelay $0xc  }
0x106: {  	v4, v11, _ =	vpop (xrf1)  }
0x107: {  	v2, v58, _ =	vpop (xrf1)  }
0x108: {  	v2 =	vxor.u32 $0x80000000, v2  }
0x109: {  	v2 =	vperm.xlane v2, v1  }
0x10a: {  	v9 =	vxor.u32 $0x80000000, v45  }
0x10b: {  	v12 =	vperm.xlane v58, v1;
	vm1 =	vgt.s32 v9, v2  }
0x10c: {  	v59 =	vsel vm1, v2, v9  }
0x10d: {  	v60 =	vsel vm1, v12, v10;
	v13 =	vxor.u32 $0x80000000, v59  }
0x10e: {  	(xrf1) =	vsort.ascd.msk.u32 $0xffff, v13, v60;
	_ =	sdelay $0x1  }
0x10f: {  	v2 =	vsel vm1, v9, v2  }
0x110: {  	v61 =	vsel vm1, v10, v12;
	v2 =	vxor.u32 $0x80000000, v2  }
0x111: {  	(xrf1) =	vsort.ascd.msk.u32 $0xffff, v2, v61;
	v2 =	vbroadcast v3, $0x0;
	_ =	sdelay $0x1  }
0x112: {  	v3 =	vbroadcast v3, $0x1;
	v6 =	vsub.f32 v6, v2  }
0x113: {  	s20 =	sadd.s32 s3, s18  }
0x114: {  	s20 =	smul.u32 $0x310, s20;
	v62 =	vxor.u32 $0x80000000, v5;
	v5 =	vshll.u32 v5, $0x7;
	v6 =	vsub.f32 v6, v3  }
0x115: {  	[tilespmem:$0x7080] =	vst v5;
	v63 =	vxor.u32 $0x80000000, v7  }
0x116: {  	v5 =	vsub.f32 v8, v2;
	[tilespmem:$0x7100] =	vst v6;
	v6 =	vadd.s32 s20, v63  }
0x117: {  	v9 =	vadd.s32 s20, v62;
	[tilespmem:$0x7010] =	vst v6;
	v6 =	vshll.u32 v7, $0x7;
	v7 =	vxor.u32 $0x80000000, v4  }
0x118: {  	[tilespmem:$0x7000] =	vst v9;
	v5 =	vsub.f32 v5, v3  }
0x119: {  	[tilespmem:$0x7090] =	vst v6;
	v6 =	vsub.f32 v11, v2  }
0x11a: {  	[tilespmem:$0x7110] =	vst v5;
	v5 =	vadd.s32 s20, v7;
	v7, v8, _ =	vpop (xrf1)  }
0x11b: {  	v4 =	vshll.u32 v4, $0x7;
	[tilespmem:$0x7020] =	vst v5;
	v5 =	vsub.f32 v6, v3;
	v6 =	vxor.u32 $0x80000000, v7  }
0x11c: {  	[tilespmem:$0x70A0] =	vst v4;
	v4 =	vsub.f32 v8, v2  }
0x11d: {  	[tilespmem:$0x7120] =	vst v5;
	v5 =	vadd.s32 s20, v6  }
0x11e: {  	[tilespmem:$0x7030] =	vst v5;
	v5 =	vshll.u32 v7, $0x7;
	v4 =	vsub.f32 v4, v3;
	v6, v8, _ =	vpop (xrf1)  }
0x11f: {  	[tilespmem:$0x70B0] =	vst v5;
	v7 =	vxor.u32 $0x80000000, v6;
	v5 =	vsub.f32 v8, v2  }
0x120: {  	[tilespmem:$0x7130] =	vst v4;
	v4 =	vadd.s32 s20, v7  }
0x121: {  	[tilespmem:$0x7040] =	vst v4;
	v4 =	vshll.u32 v6, $0x7;
	v5 =	vsub.f32 v5, v3  }
0x122: {  	[tilespmem:$0x70C0] =	vst v4  }
.Ltmp1:
0x123: {  	s20 =	simm.s32 $0x7180;
	[tilespmem:$0x7140] =	vst v5;
	(pc) =	sbr.rel .LBB2_5-.Ltmp1, $4  }
0x124: {  	[tilespmem:s20], [sflag:$0x1] =	stream.indirect.gather [hbm4b:s4+s12], $0x80, s13, s12, $0xb8;
	[tilespmem:$0xCC80] =	vst v63  }
0x125: {  	_ =	swait.ge [sflag:s14], $0x2800  }
0x126: {  	v7 =	vimm.f32 $-3.000000010e+38;
	[sflag:s14] =	ssyncset.done $0x0  }
0x127: {  	s21 =	simm.s32 $0x0;
	v6 =	vimm.f32 $-3.000000010e+38;
	v4 =	vimm.f32 $-3.000000010e+38;
	v5 =	vimm.f32 $-3.000000010e+38;
	[sflag:s14] =	ssyncadd.s32 $0xFFFFD800  }
.LBB2_8:
0x128: {  	_ =	sdelay $0x2  }
0x129: {  	v9, _, _ =	vpop @!p1 (xrf1)  }
0x12a: {  	v10, _, _ =	vpop @!p1 (xrf1)  }
0x12b: {  	p1 =	por p3, p3;
	v11, _, _ =	vpop @!p3 (xrf1)  }
0x12c: {  	v11 =	vperm.xlane @!p1 v11, v8;
	_ =	sdelay $0x1  }
0x12d: {  	v11 =	vmax.f32 @!p1 v6, v11  }
0x12e: {  	(xrf1) =	vsort.ascd.msk.f32 @!p1 $0xffff, v11, v11;
	_ =	sdelay $0xc  }
0x12f: {  	v11 =	vperm.xlane @!p1 v7, v8  }
0x130: {  	v12, _, _ =	vpop @!p3 (xrf1)  }
0x131: {  	v13 =	vmin.f32 @!p1 v12, v11  }
0x132: {  	v11 =	vmax.f32 @!p1 v12, v11;
	(xrf1) =	vsort.ascd.msk.f32 @!p1 $0xffff, v13, v13  }
0x133: {  	(xrf1) =	vsort.ascd.msk.f32 @!p1 $0xffff, v11, v11;
	_ =	sdelay $0xb  }
0x134: {  	v5 =	vpsel p0, v5, v9  }
0x135: {  	v9 =	vperm.xlane @!p1 v5, v8;
	v11, _, _ =	vpop @!p3 (xrf1)  }
0x136: {  	v12, _, _ =	vpop @!p3 (xrf1)  }
0x137: {  	v13 =	vmax.f32 @!p1 v12, v9  }
0x138: {  	(xrf1) =	vsort.ascd.msk.f32 @!p1 $0xffff, v13, v13;
	_ =	sdelay $0xb  }
0x139: {  	v4 =	vpsel p0, v4, v10  }
0x13a: {  	v8 =	vperm.xlane @!p1 v4, v8  }
0x13b: {  	v9 =	vmin.f32 @!p1 v12, v9;
	v10, _, _ =	vpop @!p3 (xrf1)  }
0x13c: {  	(xrf1) =	vsort.ascd.msk.f32 @!p1 $0xffff, v9, v9;
	v9 =	vmin.f32 @!p1 v10, v8  }
0x13d: {  	v8 =	vmax.f32 @!p1 v10, v8;
	(xrf1) =	vsort.ascd.msk.f32 @!p1 $0xffff, v9, v9  }
0x13e: {  	(xrf1) =	vsort.ascd.msk.f32 @!p1 $0xffff, v8, v8;
	_ =	sdelay $0xb  }
0x13f: {  	v8, _, _ =	vpop @!p3 (xrf1)  }
0x140: {  	v9, _, _ =	vpop @!p3 (xrf1)  }
0x141: {  	v6 =	vpsel p1, v6, v11;
	v10, _, _ =	vpop @!p3 (xrf1)  }
0x142: {  	v7 =	vpsel p1, v7, v8;
	v5 =	vpsel p1, v5, v9;
	v4 =	vpsel p1, v4, v10  }
.LBB2_9:
0x143: {  	s21 =	sadd.s32 $0x1, s21  }
0x144: {  	p0 =	sne.s32 s21, $0x50  }
.Ltmp2:
0x145: {  	_ = 	snop;
	(pc) =	sbr.rel @!p0 .LBB2_10-.Ltmp2, $2  }
0x146: {  	_ =	sdelay $0x2  }
0x147: {  	s20 =	sadd.s32 $0x80, s20  }
.LBB2_5:
0x148: {  	v8 =	vld [tilespmem:s21+$0x7080]  }
0x149: {  	v9 =	vld [tilespmem:s21+$0x7100];
	_ =	sdelay $0x3  }
0x14a: {  	(v2sf) =	vpush v8, $0x0  }
0x14b: {  	(v2sf) =	vpush v9, $0x0  }
0x14c: {  	(v2sf) =	vpush v6, $0x0;
	_ =	sdelay $0xc  }
0x14d: {  	s22 =	spop (v2sf)  }
0x14e: {  	s23 =	spop (v2sf)  }
0x14f: {  	s24 =	spop (v2sf)  }
0x150: {  	p0 =	sgt.f32 s23, s24  }
.Ltmp3:
0x151: {  	_ = 	snop;
	(pc) =	sbr.rel @!p0 .LBB2_9-.Ltmp3, $1  }
0x152: {  	_ =	sdelay $0x3  }
0x153: {  	s23 =	sadd.s32 $0x0, s20  }
0x154: {  	v8 =	vld [tilespmem:s23+$0x0];
	_ =	sdelay $0x4  }
0x155: {  	v8 =	vsub.f32 v8, v2;
	_ =	sdelay $0x1  }
0x156: {  	v9 =	vadd.s32 s22, v0;
	v8 =	vsub.f32 v8, v3  }
0x157: {  	vm1 =	vlt.s32 v9, $0x186A0;
	v9 =	vbroadcast v6, $0x0  }
0x158: {  	v8 =	vnsel vm1, $0xFF61B1E6, v8  }
0x159: {  	vm1 =	vgt.f32 v8, v9  }
0x15a: {  	v9 =	vmpcnt.ones.xlane vm1;
	_ =	sdelay $0x1  }
0x15b: {  	(v2sf) =	vpush v9, $0x0;
	_ =	sdelay $0xe  }
0x15c: {  	s29 =	spop (v2sf)  }
0x15d: {  	p1 =	slt.s32 s29, $0x1  }
0x15e: {  	(xrf1) =	vsort.ascd.msk.f32 @!p1 $0xffff, v8, v8;
	_ =	sdelay $0xa  }
0x15f: {  	v8 =	vlaneseq.u32 @!p1  }
0x160: {  	v8 =	vmul.u32 @!p1 $0xFFFFFFFF, v8;
	_ =	sdelay $0x1  }
0x161: {  	p0 =	por p1, p1;
	v8 =	vadd.s32 @!p1 $0xF, v8;
	v9, _, _ =	vpop @!p1 (xrf1)  }
0x162: {  	v9 =	vperm.xlane @!p0 v9, v8;
	_ =	sdelay $0x1  }
0x163: {  	v9 =	vmax.f32 @!p0 v6, v9  }
0x164: {  	(xrf1) =	vsort.ascd.msk.f32 @!p0 $0xffff, v9, v9;
	_ =	sdelay $0xc  }
0x165: {  	v9 =	vperm.xlane @!p0 v7, v8  }
0x166: {  	v10, _, _ =	vpop @!p1 (xrf1)  }
0x167: {  	v11 =	vmin.f32 @!p0 v10, v9  }
0x168: {  	(xrf1) =	vsort.ascd.msk.f32 @!p0 $0xffff, v11, v11;
	_ =	sdelay $0x4  }
0x169: {  	v9 =	vmax.f32 @!p0 v10, v9  }
0x16a: {  	(xrf1) =	vsort.ascd.msk.f32 @!p0 $0xffff, v9, v9  }
0x16b: {  	s30 =	sadd.s32 $0x10, s20  }
0x16c: {  	v9 =	vld [tilespmem:s30+$0x0];
	_ =	sdelay $0x4  }
0x16d: {  	v9 =	vsub.f32 v9, v2  }
0x16e: {  	s22 =	sadd.s32 $0x10, s22;
	v10, _, _ =	vpop @!p1 (xrf1)  }
0x16f: {  	v11 =	vadd.s32 s22, v0;
	v9 =	vsub.f32 v9, v3;
	v6 =	vpsel p0, v6, v10  }
0x170: {  	vm1 =	vlt.s32 v11, $0x186A0;
	v10 =	vbroadcast v6, $0x0  }
0x171: {  	v9 =	vnsel vm1, $0xFF61B1E6, v9  }
0x172: {  	vm1 =	vgt.f32 v9, v10  }
0x173: {  	v11 =	vperm.xlane @!p0 v5, v8;
	v10 =	vmpcnt.ones.xlane vm1  }
0x174: {  	v12, _, _ =	vpop @!p1 (xrf1)  }
0x175: {  	(v2sf) =	vpush v10, $0x0;
	v10 =	vmax.f32 @!p0 v12, v11  }
0x176: {  	(xrf1) =	vsort.ascd.msk.f32 @!p0 $0xffff, v10, v10;
	_ =	sdelay $0x5  }
0x177: {  	v10 =	vmin.f32 @!p0 v12, v11  }
0x178: {  	(xrf1) =	vsort.ascd.msk.f32 @!p0 $0xffff, v10, v10;
	_ =	sdelay $0x5  }
0x179: {  	v8 =	vperm.xlane @!p0 v4, v8  }
0x17a: {  	v10, _, _ =	vpop @!p1 (xrf1)  }
0x17b: {  	v11 =	vmin.f32 @!p0 v10, v8  }
0x17c: {  	v8 =	vmax.f32 @!p0 v10, v8;
	(xrf1) =	vsort.ascd.msk.f32 @!p0 $0xffff, v11, v11  }
0x17d: {  	(xrf1) =	vsort.ascd.msk.f32 @!p0 $0xffff, v8, v8;
	_ =	sdelay $0x1  }
0x17e: {  	s31 =	spop (v2sf)  }
0x17f: {  	p3 =	slt.s32 s31, $0x1  }
0x180: {  	v11, _, _ =	vpop @!p1 (xrf1);
	(xrf1) =	vsort.ascd.msk.f32 @!p3 $0xffff, v9, v9;
	_ =	sdelay $0x3  }
0x181: {  	v12 =	vlaneseq.u32 @!p3  }
0x182: {  	v10 =	vmul.u32 @!p3 $0xFFFFFFFF, v12;
	_ =	sdelay $0x1  }
0x183: {  	s23 =	simm.s32 $0x80;
	v7 =	vpsel p0, v7, v11;
	v8 =	vadd.s32 @!p3 $0xF, v10  }
.LBB2_7:
0x184: {  	p4 =	por p1, p1;
	p1 =	por p3, p3  }
0x185: {  	s24 =	smov.u32 s23;
	s23 =	sadd.s32 $0x40, s23;
	v9, _, _ =	vpop @!p4 (xrf1)  }
0x186: {  	p2 =	sne.s32 s23, $0x200;
	v5 =	vpsel p0, v5, v9;
	v9, _, _ =	vpop @!p4 (xrf1)  }
0x187: {  	v4 =	vpsel p0, v4, v9;
	p0 =	por p3, p3;
	_ =	sdelay $0x2  }
0x188: {  	v9, _, _ =	vpop @!p3 (xrf1)  }
0x189: {  	v9 =	vperm.xlane @!p0 v9, v8;
	_ =	sdelay $0x1  }
0x18a: {  	v9 =	vmax.f32 @!p0 v6, v9  }
0x18b: {  	(xrf1) =	vsort.ascd.msk.f32 @!p0 $0xffff, v9, v9;
	_ =	sdelay $0xc  }
0x18c: {  	v9 =	vperm.xlane @!p0 v7, v8  }
0x18d: {  	v10, _, _ =	vpop @!p3 (xrf1)  }
0x18e: {  	v11 =	vmax.f32 @!p0 v10, v9;
	v9 =	vmin.f32 @!p0 v10, v9  }
0x18f: {  	(xrf1) =	vsort.ascd.msk.f32 @!p0 $0xffff, v9, v9  }
0x190: {  	(xrf1) =	vsort.ascd.msk.f32 @!p0 $0xffff, v11, v11;
	_ =	sdelay $0x4  }
0x191: {  	s24 =	sshra.s32 s24, $0x2  }
0x192: {  	s24 =	sadd.s32 s24, s20  }
0x193: {  	v9 =	vld [tilespmem:s24+$0x0];
	_ =	sdelay $0x4  }
0x194: {  	v10 =	vperm.xlane @!p0 v5, v8;
	v9 =	vsub.f32 v9, v2  }
0x195: {  	s22 =	sadd.s32 $0x10, s22;
	v11, _, _ =	vpop @!p3 (xrf1)  }
0x196: {  	v12 =	vadd.s32 s22, v0;
	v9 =	vsub.f32 v9, v3;
	v6 =	vpsel p0, v6, v11;
	v11, _, _ =	vpop @!p3 (xrf1)  }
0x197: {  	vm1 =	vlt.s32 v12, $0x186A0;
	v12 =	vbroadcast v6, $0x0;
	v13 =	vmax.f32 @!p0 v11, v10  }
0x198: {  	v10 =	vmin.f32 @!p0 v11, v10;
	v9 =	vnsel vm1, $0xFF61B1E6, v9;
	(xrf1) =	vsort.ascd.msk.f32 @!p0 $0xffff, v13, v13  }
0x199: {  	vm1 =	vgt.f32 v9, v12;
	(xrf1) =	vsort.ascd.msk.f32 @!p0 $0xffff, v10, v10  }
0x19a: {  	v10 =	vmpcnt.ones.xlane vm1;
	_ =	sdelay $0x1  }
0x19b: {  	(v2sf) =	vpush v10, $0x0;
	_ =	sdelay $0x7  }
0x19c: {  	v8 =	vperm.xlane @!p0 v4, v8;
	_ =	sdelay $0x1  }
0x19d: {  	v10, _, _ =	vpop @!p3 (xrf1)  }
0x19e: {  	v11 =	vmax.f32 @!p0 v10, v8;
	v8 =	vmin.f32 @!p0 v10, v8;
	v10, _, _ =	vpop @!p3 (xrf1)  }
0x19f: {  	v7 =	vpsel p0, v7, v10;
	(xrf1) =	vsort.ascd.msk.f32 @!p0 $0xffff, v8, v8  }
0x1a0: {  	(xrf1) =	vsort.ascd.msk.f32 @!p0 $0xffff, v11, v11;
	_ =	sdelay $0x1  }
0x1a1: {  	s24 =	spop (v2sf)  }
.Ltmp4:
0x1a2: {  	p3 =	slt.s32 s24, $0x1;
	(pc) =	sbr.rel @p2 .LBB2_7-.Ltmp4, $3  }
0x1a3: {  	v8 =	vlaneseq.u32 @!p3;
	(xrf1) =	vsort.ascd.msk.f32 @!p3 $0xffff, v9, v9  }
0x1a4: {  	v8 =	vmul.u32 @!p3 $0xFFFFFFFF, v8;
	_ =	sdelay $0x1  }
0x1a5: {  	v8 =	vadd.s32 @!p3 $0xF, v8  }
.Ltmp5:
0x1a6: {  	_ = 	snop;
	(pc) =	sbr.rel .LBB2_8-.Ltmp5, $1  }
0x1a7: {  	_ =	sdelay $0x3  }
.LBB2_10:
0x1a8: {  	(v2sf) =	vpush v6, $0x0;
	_ =	sdelay $0xa  }
.Ltmp6:
0x1a9: {  	_ = 	snop;
	(pc) =	sbr.rel .LBB2_11-.Ltmp6, $3  }
0x1aa: {  	_ =	sdelay $0x1  }
0x1ab: {  	s22 =	simm.s32 $0x0;
	s23 =	simm.s32 $0x7180  }
0x1ac: {  	v4 =	vbroadcast v6, $0x0;
	s20 =	simm.s32 $0x0;
	s24 =	simm.s32 $0x0;
	s21 =	spop (v2sf)  }
.LBB2_14:
0x1ad: {  	s25 =	smov.u32 s22  }
0x1ae: {  	s25 =	smov.u32 @p3 s29  }
0x1af: {  	[tilespmem:s22+$0xAA80] =	vst.msk @!p2 vm1, v6;
	s25 =	smov.u32 @p1 s22  }
0x1b0: {  	[tilespmem:s22+$0xAB80] =	vst.msk @!p2 vm1, v5;
	s22 =	smov.u32 s25  }
.LBB2_15:
0x1b1: {  	s24 =	sadd.s32 $0x1, s24  }
0x1b2: {  	p0 =	sne.s32 s24, $0x50  }
.Ltmp7:
0x1b3: {  	_ = 	snop;
	(pc) =	sbr.rel @!p0 .LBB2_16-.Ltmp7, $2  }
0x1b4: {  	_ =	sdelay $0x2  }
0x1b5: {  	s23 =	sadd.s32 $0x80, s23  }
.LBB2_11:
0x1b6: {  	v5 =	vld [tilespmem:s24+$0x7080]  }
0x1b7: {  	v6 =	vld [tilespmem:s24+$0x7100];
	_ =	sdelay $0x3  }
0x1b8: {  	(v2sf) =	vpush v5, $0x0  }
0x1b9: {  	(v2sf) =	vpush v6, $0x0;
	_ =	sdelay $0xd  }
0x1ba: {  	s25 =	spop (v2sf)  }
0x1bb: {  	s26 =	spop (v2sf)  }
0x1bc: {  	p0 =	sge.f32 s26, s21  }
.Ltmp8:
0x1bd: {  	_ = 	snop;
	(pc) =	sbr.rel @!p0 .LBB2_15-.Ltmp8, $1  }
0x1be: {  	_ =	sdelay $0x3  }
0x1bf: {  	s26 =	sadd.s32 $0x0, s23  }
0x1c0: {  	v5 =	vld [tilespmem:s26+$0x0];
	_ =	sdelay $0x4  }
0x1c1: {  	v6 =	vsub.f32 v5, v2;
	_ =	sdelay $0x1  }
0x1c2: {  	v5 =	vadd.s32 s25, v0;
	v6 =	vsub.f32 v6, v3  }
0x1c3: {  	vm1 =	vlt.s32 v5, $0x186A0  }
0x1c4: {  	v6 =	vnsel vm1, $0xFF61B1E6, v6  }
0x1c5: {  	vm1 =	vgt.f32 v6, v4  }
0x1c6: {  	v7 =	vmpcnt.ones.xlane vm1;
	vm1 =	veq.f32 v6, v4  }
0x1c7: {  	v8 =	vmpcnt.ones.xlane vm1  }
0x1c8: {  	(v2sf) =	vpush v7, $0x0  }
0x1c9: {  	(v2sf) =	vpush v8, $0x0;
	_ =	sdelay $0xd  }
0x1ca: {  	s26 =	spop (v2sf)  }
0x1cb: {  	p1 =	sgt.s32 s22, $0x80;
	p0 =	slt.s32 s26, $0x1;
	s28 =	spop (v2sf)  }
0x1cc: {  	vm1 =	vgt.f32 @!p0 v6, v4;
	s30 =	sadd.s32 @!p0 s20, s26;
	p3 =	slt.s32 @!p1 s28, $0x1  }
0x1cd: {  	s26 =	simm.s32 $0x40;
	[tilespmem:s20+$0xA980] =	vst.msk @!p0 vm1, v6;
	s30 =	smov.u32 @p0 s20;
	p2 =	por p3, p1  }
0x1ce: {  	p3 =	por !p3, p1;
	[tilespmem:s20+$0xAA00] =	vst.msk @!p0 vm1, v5;
	vm1 =	veq.f32 @!p2 v6, v4;
	s29 =	sadd.s32 @!p2 s22, s28;
	s20 =	smov.u32 s30  }
.LBB2_13:
0x1cf: {  	s28 =	smov.u32 s20;
	s20 =	smov.u32 s22  }
0x1d0: {  	s30 =	sshra.s32 s26, $0x2;
	[tilespmem:s22+$0xAA80] =	vst.msk @!p2 vm1, v6;
	s22 =	smov.u32 @p3 s29;
	s29 =	smov.u32 s28  }
0x1d1: {  	s26 =	sadd.s32 $0x40, s26;
	s30 =	sadd.s32 s30, s23;
	[tilespmem:s20+$0xAB80] =	vst.msk @!p2 vm1, v5;
	s22 =	smov.u32 @p1 s20  }
0x1d2: {  	p0 =	sne.s32 s26, $0x200;
	v5 =	vld [tilespmem:s30+$0x0];
	_ =	sdelay $0x4  }
0x1d3: {  	v6 =	vsub.f32 v5, v2  }
0x1d4: {  	s25 =	sadd.s32 $0x10, s25  }
0x1d5: {  	v5 =	vadd.s32 s25, v0;
	v6 =	vsub.f32 v6, v3  }
0x1d6: {  	vm1 =	vlt.s32 v5, $0x186A0  }
0x1d7: {  	v6 =	vnsel vm1, $0xFF61B1E6, v6  }
0x1d8: {  	vm1 =	vgt.f32 v6, v4  }
0x1d9: {  	vm2 =	veq.f32 v6, v4;
	v7 =	vmpcnt.ones.xlane vm1  }
0x1da: {  	v8 =	vmpcnt.ones.xlane vm2  }
0x1db: {  	(v2sf) =	vpush v7, $0x0  }
0x1dc: {  	(v2sf) =	vpush v8, $0x0;
	_ =	sdelay $0xd  }
.Ltmp9:
0x1dd: {  	s20 =	spop (v2sf);
	(pc) =	sbr.rel @p0 .LBB2_13-.Ltmp9, $4  }
0x1de: {  	p1 =	sgt.s32 s22, $0x80;
	p4 =	slt.s32 s20, $0x1;
	s30 =	spop (v2sf)  }
0x1df: {  	vm1 =	vgt.f32 @!p4 v6, v4;
	s20 =	sadd.s32 @!p4 s28, s20;
	p3 =	slt.s32 @!p1 s30, $0x1  }
0x1e0: {  	[tilespmem:s29+$0xA980] =	vst.msk @!p4 vm1, v6;
	s20 =	smov.u32 @p4 s28;
	p2 =	por p3, p1;
	p3 =	por !p3, p1  }
0x1e1: {  	[tilespmem:s29+$0xAA00] =	vst.msk @!p4 vm1, v5;
	vm1 =	veq.f32 @!p2 v6, v4;
	s29 =	sadd.s32 @!p2 s22, s30  }
.Ltmp10:
0x1e2: {  	_ = 	snop;
	(pc) =	sbr.rel .LBB2_14-.Ltmp10, $1  }
0x1e3: {  	_ =	sdelay $0x3  }
.LBB2_16:
0x1e4: {  	v2 =	vld [tilespmem:$0xA980]  }
0x1e5: {  	v3 =	vld [tilespmem:$0xA990]  }
0x1e6: {  	v4 =	vld [tilespmem:$0xA9A0];
	_ =	sdelay $0x1  }
0x1e7: {  	v5 =	vld [tilespmem:$0xA9B0];
	v6 =	vmov s20  }
0x1e8: {  	v7 =	vld [tilespmem:$0xA9C0];
	v8 =	vor.u32 $0x10, v0;
	v9 =	vor.u32 $0x20, v0;
	vm1 =	vgt.s32 v6, v0  }
0x1e9: {  	vm2 =	vgt.s32 v6, v9;
	v10 =	vnsel vm1, $0xFF61B1E6, v2;
	vm1 =	vgt.s32 v6, v8  }
0x1ea: {  	p0 =	sle.s32 s20, $0x0;
	v12 =	vnsel vm2, $0xFF61B1E6, v4;
	v2 =	vor.u32 $0x30, v0;
	v11 =	vnsel vm1, $0xFF61B1E6, v3  }
0x1eb: {  	vm1 =	vgt.s32 v6, v2;
	v2 =	vor.u32 $0x40, v0;
	v3 =	vmax.f32 @!p0 v10, v11  }
0x1ec: {  	v13 =	vnsel vm1, $0xFF61B1E6, v5;
	vm1 =	vgt.s32 v6, v2;
	v2 =	vmax.f32 @!p0 v3, v12  }
0x1ed: {  	v14 =	vnsel vm1, $0xFF61B1E6, v7;
	v2 =	vmax.f32 @!p0 v2, v13  }
0x1ee: {  	v2 =	vmax.f32 @!p0 v2, v14  }
0x1ef: {  	(xrf1) =	vsort.ascd.msk.f32 @!p0 $0xffff, v2, v2;
	_ =	sdelay $0xc  }
0x1f0: {  	v5 =	vld [tilespmem:$0xAA10]  }
0x1f1: {  	p1 =	por p0, p0;
	v4 =	vld [tilespmem:$0xAA00];
	v7, _, _ =	vpop @!p0 (xrf1)  }
0x1f2: {  	v8 =	vbroadcast @!p1 v7, $0xF;
	_ =	sdelay $0x1  }
0x1f3: {  	v2 =	vld [tilespmem:$0xAA20];
	vm5 =	veq.f32 @!p1 v11, v8  }
0x1f4: {  	v6 =	vnsel @!p1 vm5, $0x7FFFFFFF, v5  }
0x1f5: {  	vm1 =	vlt.s32 @!p1 v4, v6  }
0x1f6: {  	v3 =	vld [tilespmem:$0xAA30];
	vm6 =	veq.f32 @!p1 v10, v8;
	v9 =	vsel @!p1 vm1, v4, v6  }
0x1f7: {  	v9 =	vsel @!p1 vm6, v9, v6  }
0x1f8: {  	vm1 =	vlt.s32 @!p1 v9, v2  }
0x1f9: {  	vm9 =	veq.f32 @!p1 v12, v8;
	v6 =	vld [tilespmem:$0xAA40];
	v15 =	vsel @!p1 vm1, v9, v2  }
0x1fa: {  	v9 =	vsel @!p1 vm9, v15, v9  }
0x1fb: {  	vm1 =	vlt.s32 @!p1 v9, v3  }
0x1fc: {  	vm7 =	veq.f32 @!p1 v13, v8;
	v16 =	vsel @!p1 vm1, v9, v3  }
0x1fd: {  	s21 =	sshll.u32 s20, $0x2;
	v9 =	vsel @!p1 vm7, v16, v9  }
0x1fe: {  	s21 =	ssub.s32 $0x0, s21;
	vm1 =	vlt.s32 @!p1 v9, v6  }
0x1ff: {  	s21 =	sshra.s32 s21, $0x2;
	vm8 =	veq.f32 @!p1 v14, v8;
	v8 =	vsel @!p1 vm1, v9, v6  }
0x200: {  	s22 =	sadd.s32 $0xAB80, s21;
	v8 =	vsel @!p1 vm8, v8, v9  }
0x201: {  	s21 =	sadd.s32 $0xAA80, s21;
	v15 =	vld @p0 [tilespmem:s22+$0x0];
	(xrf1) =	vsort.ascd.msk.u32 @!p1 $0xffff, v8, v8  }
0x202: {  	v17 =	vld @p1 [tilespmem:s21+$0x0];
	_ =	sdelay $0x3  }
0x203: {  	(v2sf) =	vpush @p0 v15, $0x0  }
0x204: {  	(v2sf) =	vpush @p1 v17, $0x0  }
0x205: {  	(v2sf) =	vpush @!p1 v7, $0xF;
	_ =	sdelay $0x3  }
0x206: {  	s23 =	simm.s32 $0x0  }
0x207: {  	vm10 =	vmmov vm0;
	s23 =	sand.u32 $0xF, s23  }
0x208: {  	p2 =	por $0x1, $0x1;
	p4 =	por $0x0, $0x0;
	vm4 =	vmmov vm0;
	vm1 =	vmmov vm0;
	v8 =	vmov s23  }
0x209: {  	vm4 =	vmneg @p4 vm4;
	vm1 =	vmneg @p2 vm1;
	vm3 =	veq.s32 v8, v0;
	v7, _, _ =	vpop @!p0 (xrf1)  }
0x20a: {  	p3 =	por $0x0, $0x0;
	p2 =	por $0x0, $0x0;
	vm2 =	vmand vm3, vm1;
	vm1 =	vmmov vm0;
	(v2sf) =	vpush @!p1 v7, $0x0  }
0x20b: {  	vm10 =	vmneg @p2 vm10;
	vm1 =	vmneg @p3 vm1;
	v16 =	vbroadcast @!p1 v7, $0x0  }
0x20c: {  	vm4 =	vmand vm3, vm4;
	vm1 =	vmand vm3, vm1;
	vm3 =	vmand vm3, vm10  }
0x20d: {  	vm10 =	veq.s32 @!p1 v4, v16;
	vm11 =	veq.s32 @!p1 v5, v16;
	vm12 =	veq.s32 @!p1 v2, v16  }
0x20e: {  	vm6 =	vmand @!p1 vm6, vm10;
	vm5 =	vmand @!p1 vm5, vm11;
	vm9 =	vmand @!p1 vm9, vm12  }
0x20f: {  	s25 =	spop @p0 (v2sf);
	v15 =	vsel @!p1 vm6, $0xFF61B1E6, v10;
	v17 =	vsel @!p1 vm5, $0xFF61B1E6, v11;
	v18 =	vsel @!p1 vm9, $0xFF61B1E6, v12  }
0x210: {  	s23 =	spop @p0 (v2sf);
	vm5 =	veq.s32 @!p1 v3, v16;
	vm6 =	veq.s32 @!p1 v6, v16;
	v15 =	vpsel p1, v10, v15  }
0x211: {  	p3 =	sle.s32 s20, $0x1;
	s24 =	spop @!p0 (v2sf);
	v19 =	vpsel p1, v11, v17;
	vm5 =	vmand @!p1 vm7, vm5;
	v16 =	vpsel p1, v12, v18  }
0x212: {  	s24 =	smov.u32 @p1 s23;
	s23 =	sadd.s32 $0x1, s22;
	v10 =	vmax.f32 @!p3 v15, v19;
	v12 =	vsel @!p1 vm5, $0xFF61B1E6, v13;
	vm5 =	vmand @!p1 vm8, vm6  }
0x213: {  	v11 =	vld @p3 [tilespmem:s23+$0x0];
	v10 =	vmax.f32 @!p3 v10, v16;
	v17 =	vsel @!p1 vm5, $0xFF61B1E6, v14;
	v18 =	vpsel p1, v13, v12  }
0x214: {  	v13 =	vmax.f32 @!p3 v10, v18;
	v17 =	vpsel p1, v14, v17  }
0x215: {  	v13 =	vmax.f32 @!p3 v13, v17  }
0x216: {  	(xrf1) =	vsort.ascd.msk.f32 @!p3 $0xffff, v13, v13  }
0x217: {  	v20 =	vimm.f32 $0.0e+00  }
0x218: {  	v8 =	vimm.s32 $0x0;
	v9 =	vsel vm2, s24, v20;
	(v2sf) =	vpush @p3 v11, $0x0  }
0x219: {  	s22 =	simm.s32 $0x1;
	v7 =	vsel vm1, s24, v20;
	v12 =	vsel vm4, s24, v20;
	v10 =	vsel vm3, s24, v20;
	s26 =	spop @!p0 (v2sf)  }
0x21a: {  	s24 =	simm.s32 $0x2;
	v14 =	vimm.s32 $0x0;
	v13 =	vimm.s32 $0x0;
	v11 =	vimm.s32 $0x0;
	p0 =	por p3, p3;
	s26 =	smov.u32 @p1 s25  }
.LBB2_17:
0x21b: {  	p1 =	por p3, p3  }
0x21c: {  	v8 =	vsel vm2, s26, v8;
	s21 =	sadd.s32 $0x1, s21;
	s28 =	smov.u32 s24;
	s24 =	sadd.s32 $0x1, s24  }
0x21d: {  	v14 =	vsel vm4, s26, v14;
	v13 =	vsel vm3, s26, v13;
	v11 =	vsel vm1, s26, v11;
	p2 =	sne.s32 s24, $0x40;
	_ =	sdelay $0x1  }
0x21e: {  	v20 =	vld @p0 [tilespmem:s21+$0x0];
	_ =	sdelay $0x4  }
0x21f: {  	(v2sf) =	vpush @p0 v20, $0x0;
	v20, _, _ =	vpop @!p3 (xrf1)  }
0x220: {  	v21 =	vbroadcast @!p0 v20, $0xF  }
0x221: {  	(v2sf) =	vpush @!p0 v20, $0xF  }
0x222: {  	s25 =	spop @p3 (v2sf);
	vm5 =	veq.f32 @!p0 v19, v21  }
0x223: {  	v20 =	vnsel @!p0 vm5, $0x7FFFFFFF, v5  }
0x224: {  	vm1 =	vlt.s32 @!p0 v4, v20  }
0x225: {  	vm6 =	veq.f32 @!p0 v15, v21;
	v22 =	vsel @!p0 vm1, v4, v20  }
0x226: {  	v20 =	vsel @!p0 vm6, v22, v20  }
0x227: {  	vm1 =	vlt.s32 @!p0 v20, v2  }
0x228: {  	vm9 =	veq.f32 @!p0 v16, v21;
	v22 =	vsel @!p0 vm1, v20, v2  }
0x229: {  	v20 =	vsel @!p0 vm9, v22, v20  }
0x22a: {  	vm1 =	vlt.s32 @!p0 v20, v3  }
0x22b: {  	vm7 =	veq.f32 @!p0 v18, v21;
	v22 =	vsel @!p0 vm1, v20, v3  }
0x22c: {  	v20 =	vsel @!p0 vm7, v22, v20  }
0x22d: {  	s26 =	sand.u32 $0xF, s22;
	s29 =	sshrl.u32 s22, $0x4;
	vm8 =	veq.f32 @!p0 v17, v21;
	vm1 =	vlt.s32 @!p0 v20, v6  }
0x22e: {  	s22 =	smov.u32 s28;
	p3 =	seq.s32 s29, $0x0;
	v22 =	vmov s26;
	v21 =	vsel @!p0 vm1, v20, v6;
	vm1 =	vmmov vm0  }
0x22f: {  	vm10 =	vmmov vm0;
	p4 =	seq.s32 s29, $0x2;
	vm3 =	veq.s32 v22, v0;
	s26 =	spop @p1 (v2sf);
	vm1 =	vmneg @p3 vm1  }
0x230: {  	p5 =	seq.s32 s29, $0x3;
	v20 =	vsel @!p0 vm8, v21, v20;
	p3 =	seq.s32 s29, $0x1;
	s28 =	spop @!p1 (v2sf);
	vm2 =	vmand vm3, vm1;
	vm1 =	vmmov vm0  }
0x231: {  	vm4 =	vmmov vm0;
	vm10 =	vmneg @p4 vm10;
	s28 =	smov.u32 @p0 s26;
	(xrf1) =	vsort.ascd.msk.u32 @!p0 $0xffff, v20, v20;
	vm1 =	vmneg @p5 vm1  }
0x232: {  	vm4 =	vmneg @p3 vm4;
	v9 =	vsel vm2, s28, v9;
	vm1 =	vmand vm3, vm1  }
0x233: {  	vm4 =	vmand vm3, vm4;
	vm3 =	vmand vm3, vm10;
	v7 =	vsel vm1, s28, v7  }
0x234: {  	v12 =	vsel vm4, s28, v12;
	v10 =	vsel vm3, s28, v10;
	_ =	sdelay $0xa  }
0x235: {  	v20, _, _ =	vpop @!p1 (xrf1)  }
0x236: {  	v21 =	vbroadcast @!p0 v20, $0x0;
	(v2sf) =	vpush @!p0 v20, $0x0;
	_ =	sdelay $0x1  }
0x237: {  	vm10 =	veq.s32 @!p0 v4, v21;
	vm11 =	veq.s32 @!p0 v5, v21;
	vm12 =	veq.s32 @!p0 v2, v21  }
0x238: {  	vm6 =	vmand @!p0 vm6, vm10;
	vm5 =	vmand @!p0 vm5, vm11;
	vm9 =	vmand @!p0 vm9, vm12  }
0x239: {  	v20 =	vsel @!p0 vm6, $0xFF61B1E6, v15;
	v22 =	vsel @!p0 vm5, $0xFF61B1E6, v19;
	v23 =	vsel @!p0 vm9, $0xFF61B1E6, v16  }
0x23a: {  	vm5 =	veq.s32 @!p0 v3, v21;
	v15 =	vpsel p0, v15, v20;
	v19 =	vpsel p0, v19, v22  }
0x23b: {  	s23 =	sadd.s32 $0x1, s23;
	p3 =	sge.s32 s22, s20;
	vm6 =	veq.s32 @!p0 v6, v21;
	vm5 =	vmand @!p0 vm7, vm5;
	v16 =	vpsel p0, v16, v23  }
0x23c: {  	v21 =	vmax.f32 @!p3 v15, v19;
	v22 =	vsel @!p0 vm5, $0xFF61B1E6, v18;
	vm5 =	vmand @!p0 vm8, vm6;
	v20 =	vld @p3 [tilespmem:s23+$0x0]  }
0x23d: {  	v21 =	vmax.f32 @!p3 v21, v16;
	v23 =	vsel @!p0 vm5, $0xFF61B1E6, v17;
	v18 =	vpsel p0, v18, v22  }
0x23e: {  	v21 =	vmax.f32 @!p3 v21, v18;
	v17 =	vpsel p0, v17, v23  }
0x23f: {  	v21 =	vmax.f32 @!p3 v21, v17  }
0x240: {  	(xrf1) =	vsort.ascd.msk.f32 @!p3 $0xffff, v21, v21  }
.Ltmp11:
0x241: {  	(v2sf) =	vpush @p3 v20, $0x0;
	(pc) =	sbr.rel @p2 .LBB2_17-.Ltmp11, $3  }
0x242: {  	_ =	sdelay $0x1  }
0x243: {  	s26 =	spop @!p1 (v2sf)  }
0x244: {  	s26 =	smov.u32 @p0 s25;
	p0 =	por p3, p3  }
0x245: {  	_ =	sdelay $0x7  }
0x246: {  	v20, _, _ =	vpop @!p3 (xrf1)  }
0x247: {  	v21 =	vbroadcast @!p0 v20, $0xF;
	_ =	sdelay $0x1  }
0x248: {  	vm5 =	veq.f32 @!p0 v19, v21  }
0x249: {  	v5 =	vnsel @!p0 vm5, $0x7FFFFFFF, v5  }
0x24a: {  	vm5 =	vlt.s32 @!p0 v4, v5  }
0x24b: {  	v4 =	vsel @!p0 vm5, v4, v5;
	vm5 =	veq.f32 @!p0 v15, v21  }
0x24c: {  	v4 =	vsel @!p0 vm5, v4, v5  }
0x24d: {  	vm5 =	vlt.s32 @!p0 v4, v2  }
0x24e: {  	vm6 =	veq.f32 @!p0 v16, v21;
	v2 =	vsel @!p0 vm5, v4, v2  }
0x24f: {  	v2 =	vsel @!p0 vm6, v2, v4  }
0x250: {  	vm5 =	vlt.s32 @!p0 v2, v3  }
0x251: {  	vm6 =	veq.f32 @!p0 v18, v21;
	v3 =	vsel @!p0 vm5, v2, v3  }
0x252: {  	v2 =	vsel @!p0 vm6, v3, v2  }
0x253: {  	vm5 =	vlt.s32 @!p0 v2, v6  }
0x254: {  	vm6 =	veq.f32 @!p0 v17, v21;
	v3 =	vsel @!p0 vm5, v2, v6  }
0x255: {  	v2 =	vsel @!p0 vm6, v3, v2  }
0x256: {  	(xrf1) =	vsort.ascd.msk.u32 @!p0 $0xffff, v2, v2;
	_ =	sdelay $0x5  }
0x257: {  	s20 =	sadd.s32 $0x1, s21  }
0x258: {  	v2 =	vld @p0 [tilespmem:s20+$0x0];
	_ =	sdelay $0x4  }
0x259: {  	(v2sf) =	vpush @p0 v2, $0x0  }
0x25a: {  	(v2sf) =	vpush @!p0 v20, $0xF  }
0x25b: {  	v2, _, _ =	vpop @!p3 (xrf1)  }
0x25c: {  	(v2sf) =	vpush @!p0 v2, $0x0;
	_ =	sdelay $0xa  }
0x25d: {  	s30 =	sand.u32 $0xF, s22;
	s31 =	sshrl.u32 s22, $0x4;
	s20 =	spop @p3 (v2sf)  }
0x25e: {  	p1 =	seq.s32 s31, $0x0;
	vm5 =	vmmov vm0;
	v2 =	vmov s30;
	s21 =	spop @p3 (v2sf)  }
0x25f: {  	vm7 =	vmmov vm0;
	vm5 =	vmneg @p1 vm5;
	p1 =	seq.s32 s31, $0x1;
	vm14 =	veq.s32 v2, v0;
	s23 =	spop @!p3 (v2sf)  }
0x260: {  	vm7 =	vmneg @p1 vm7;
	vm5 =	vmand vm14, vm5;
	s23 =	smov.u32 @p0 s21  }
0x261: {  	v2 =	vsel vm2, s26, v8;
	vm15 =	vmand vm14, vm7;
	v3 =	vsel vm5, s23, v9;
	s21 =	spop @!p3 (v2sf)  }
0x262: {  	vm2 =	vmmov vm0;
	v61 =	vsel vm15, s23, v12;
	[tilespmem:s19+$0xAC80] =	vst v3;
	v3 =	vsel vm4, s26, v14;
	s21 =	smov.u32 @p0 s20;
	p0 =	seq.s32 s31, $0x2  }
0x263: {  	s18 =	sadd.s32 $0x1, s18;
	vm4 =	vmmov vm0;
	[tilespmem:s19+$0xAC90] =	vst v61;
	v2 =	vsel vm5, s21, v2;
	vm2 =	vmneg @p0 vm2;
	p0 =	seq.s32 s31, $0x3  }
0x264: {  	[tilespmem:s19+$0xBC80] =	vst v2;
	v2 =	vsel vm15, s21, v3;
	vm2 =	vmand vm14, vm2;
	vm4 =	vmneg @p0 vm4;
	p0 =	sne.s32 s18, $0x20  }
.Ltmp12:
0x265: {  	v3 =	vsel vm3, s26, v13;
	v62 =	vsel vm2, s23, v10;
	[tilespmem:s19+$0xBC90] =	vst v2;
	(pc) =	sbr.rel @p0 .LBB2_2-.Ltmp12, $4  }
0x266: {  	vm3 =	vmand vm14, vm4;
	v2 =	vsel vm2, s21, v3;
	[tilespmem:s19+$0xACA0] =	vst v62  }
0x267: {  	v3 =	vsel vm1, s26, v11;
	v63 =	vsel vm3, s23, v7;
	[tilespmem:s19+$0xBCA0] =	vst v2  }
0x268: {  	v2 =	vsel vm3, s21, v3;
	[tilespmem:s19+$0xACB0] =	vst v63  }
0x269: {  	[tilespmem:s19+$0xBCB0] =	vst v2  }
0x26a: {  	[hbm4b:s7+s2] =	stream.linear.scatter [tilespmem:s15], [sflag:$0x2], $0x1000, $0x38;
	[tilespmem:$0xCC80] =	vst v63  }
0x26b: {  	s17 =	sadd.s32 $0x1, s17;
	_ =	swait.ge [sflag:s10], $0x1000  }
0x26c: {  	p0 =	sne.s32 s17, s9;
	[sflag:s10] =	ssyncset.done $0x0  }
.Ltmp13:
0x26d: {  	[sflag:s10] =	ssyncadd.s32 $0xFFFFF000;
	(pc) =	sbr.rel @p0 .LBB2_1-.Ltmp13, $4  }
0x26e: {  	[hbm4b:s8+s2] =	stream.linear.scatter [tilespmem:s16], [sflag:$0x2], $0x1000, $0x38;
	[tilespmem:$0xCC80] =	vst v63  }
0x26f: {  	_ =	swait.ge [sflag:s10], $0x1000  }
0x270: {  	[sflag:s10] =	ssyncset.done $0x0  }
0x271: {  	[sflag:s10] =	ssyncadd.s32 $0xFFFFF000  }
0x272: {  	_ =	sfence.sel $0x180000  }
0x273: {  	[bflag:$0x0] =	sbarrier.arrive $0xFFFF  }
0x274: {  	p0 =	sne.s32 s0, $0x0;
	_ =	strace $0x90000047  }
0x275: {  	s0 =	sadd.s32 @!p0 $0x100000, s1;
	[bflag:$0x2] =	sbarrier.arrive $0xFFFF  }
0x276: {  	[sflag:s0] =	ssyncadd.tile.s32 @!p0 $0x1;
	_ =	shalt  }
.Lfunc_end2:
_tile_overlayer_lowered:
.L_overlay_start_2:
0x277: {  	(tag) =	ssettag $0x2  }
0x278: {  	s0 =	rddreg [dreg:$0x0];
	s2 =	stileid.u32  }
0x279: {  	s1 =	rddreg [dreg:$0x1];
	p0 =	sne.s32 s2, $0x0  }
0x27a: {  	s3 =	rddreg [dreg:$0x2];
	[bflag:$0x3] =	sbarrier.arrive $0xFFFF;
	s2 =	simm.s32 @!p0 $0x1C02  }
0x27b: {  	[timem:s3], [sflag:s2] =	dma.local @!p0 [hbm:s0], s1  }
0x27c: {  	s0 =	simm.s32 @!p0 $0x2  }
0x27d: {  	_ =	swait.ge @!p0 [sflag:s0], s1  }
0x27e: {  	s1 =	ssub.s32 @!p0 $0x0, s1;
	[sflag:s0] =	ssyncset.done @!p0 $0x0  }
0x27f: {  	[sflag:s0] =	ssyncadd.s32 @!p0 s1  }
0x280: {  	[bflag:$0x3] =	sbarrier.arrive $0xFFFF  }
0x281: {  	_ =	shalt  }

</sc_bundles>
